<compile_context>
chip_gen: v7x
topology: tpu7x:2x2x1
jax: 0.10.2.dev20260603
libtpu: 0.0.44.dev20260713+nightly
codegen_flags: <defaults>
</compile_context>

<pallas_src>
import dataclasses

import jax
import jax.numpy as jnp
from jax import lax
from jax.experimental import pallas as pl
from jax.experimental.pallas import tpu as pltpu
from jax.experimental.pallas import tpu_sc as plsc

VOCAB = 100
EMBED_DIM = 16
BATCH = 16384
LANES = 16

NUM_CORES = 2
NUM_SUBCORES = 16
NUM_WORKERS = NUM_CORES * NUM_SUBCORES
B_PER_W = BATCH // NUM_WORKERS
NCHUNK = 4
C_ROWS = B_PER_W // NCHUNK
C_GROUPS = C_ROWS // LANES
GROUPS = B_PER_W // LANES


def _sc_embed(table_flat, idx):
    mesh = plsc.VectorSubcoreMesh(core_axis_name="c", subcore_axis_name="s")
    cp = pltpu.CompilerParams()
    if "needs_layout_passes" in pltpu.CompilerParams.__dataclass_fields__:
        cp = dataclasses.replace(cp, needs_layout_passes=False)

    @pl.kernel(
        mesh=mesh,
        compiler_params=cp,
        out_type=jax.ShapeDtypeStruct((BATCH, EMBED_DIM), jnp.float32),
        scratch_types=[
            pltpu.VMEM((VOCAB, EMBED_DIM), jnp.float32),
            pltpu.VMEM((B_PER_W,), jnp.int32),
            pltpu.VMEM((B_PER_W // 8, 8, EMBED_DIM), jnp.float32),
            pltpu.SemaphoreType.DMA,
            pltpu.SemaphoreType.DMA,
            pltpu.SemaphoreType.DMA,
        ],
    )
    def k(table_hbm, idx_hbm, out_hbm, table_v, idx_v, out_v, sem_t, sem_i, sem_o):
        out_hbm = out_hbm.reshape(BATCH // 8, 8, EMBED_DIM)
        wid = lax.axis_index("s") * NUM_CORES + lax.axis_index("c")
        base = wid * B_PER_W
        ct = pltpu.async_copy(table_hbm, table_v, sem_t)
        ci = pltpu.async_copy(idx_hbm.at[pl.ds(base, B_PER_W)], idx_v, sem_i)
        ci.wait()
        ct.wait()

        iota = lax.broadcasted_iota(jnp.int32, (LANES,), 0)
        out_copies = []
        for c in range(NCHUNK):

            @pl.loop(0, C_GROUPS)
            def _(g, c=c):
                for j in range(LANES):
                    r = c * C_ROWS + g * LANES + j
                    jv = plsc.load_gather(idx_v, [jnp.broadcast_to(r, (LANES,))])
                    row = plsc.load_gather(table_v, [jv, iota])
                    out_v[c * 16 + g * 2 + j // 8, j % 8, :] = row

            c_vrows = 16
            out_copies.append(
                pltpu.async_copy(
                    out_v.at[pl.ds(c * c_vrows, c_vrows)],
                    out_hbm.at[pl.ds(wid * (B_PER_W // 8) + c * c_vrows, c_vrows)],
                    sem_o,
                )
            )
        for cc in out_copies:
            cc.wait()

    return k(table_flat, idx)


def kernel(inputs, W):
    idx = inputs.reshape(BATCH).astype(jnp.int32)
    return _sc_embed(W, idx)

# --- scband reference (transcript-rebuilt; emitter-appended) ---
"""Pipeline reference for scband-my-model-87522843561004 (READ-ONLY COPY).

The authoritative reference and input builder live on the scoring server;
editing this copy changes nothing except your own understanding.
"""

import jax, jax.numpy as jnp
import numpy as np

VOCAB = 100
EMBED_DIM = 16
BATCH = 16384

def setup_inputs(seed: int = 0) -> dict:
    key = jax.random.key(seed)
    k1, k2 = jax.random.split(key)
    inputs = jax.random.randint(k1, (BATCH, 1), 0, VOCAB, dtype=jnp.int64 if jax.config.read('jax_enable_x64') else jnp.int32)
    # Embedding table (keras default: random_uniform initializer)
    W = jax.random.uniform(k2, (VOCAB, EMBED_DIM), dtype=jnp.float32, minval=-0.05, maxval=0.05)
    return {"inputs": inputs, "W": W}

def reference(inputs, W):
    # tf.keras.layers.Embedding: gather rows of W by index
    x = jnp.take(W, inputs, axis=0)  # [B, 1, 16]
    x = jnp.squeeze(x, axis=1)       # [B, 16]
    return x

if __name__ == "__main__":
    import jax
    _d = setup_inputs()
    print(jax.jit(kernel)(*tuple(_d.values())))

</pallas_src>

<mosaic_0001>
#map = affine_map<(d0, d1) -> (0, 0)>
#map1 = affine_map<(d0, d1) -> (0)>
module attributes {stable_mosaic.version = 14 : i64} {
  func.func @k(%arg0: i32, %arg1: i32, %arg2: memref<100x16xf32, #tpu.memory_space<hbm>>, %arg3: memref<16384xi32, #tpu.memory_space<hbm>>, %arg4: memref<16384x16xf32, #tpu.memory_space<hbm>>, %arg5: memref<100x16xf32, #tpu.memory_space<vmem>>, %arg6: memref<512xi32, #tpu.memory_space<vmem>>, %arg7: memref<64x8x16xf32, #tpu.memory_space<vmem>>, %arg8: memref<!tpu.dma_semaphore, #tpu.memory_space<semaphore_mem>>, %arg9: memref<!tpu.dma_semaphore, #tpu.memory_space<semaphore_mem>>, %arg10: memref<!tpu.dma_semaphore, #tpu.memory_space<semaphore_mem>>) attributes {dimension_semantics = [#tpu.dimension_semantics<core_parallel>, #tpu.dimension_semantics<subcore_parallel>], iteration_bounds = array<i64: 2, 16>, scalar_prefetch = 0 : i64, scratch_operands = 6 : i64, tpu.core_type = #tpu.core_type<sc_vector_subcore>, window_params = [{transform_indices = #map}, {transform_indices = #map1}, {transform_indices = #map}]} {
    %mul3A = arith.constant 2 : i32
    %mul3A_0 = arith.muli %arg1, %mul3A : i32
    %add3A = arith.addi %mul3A_0, %arg0 : i32
    %mul3A_1 = arith.constant 512 : i32
    %mul3A_2 = arith.muli %add3A, %mul3A_1 : i32
    tpu.enqueue_dma source(%arg2 : memref<100x16xf32, #tpu.memory_space<hbm>>) target(%arg5 : memref<100x16xf32, #tpu.memory_space<vmem>>) target_semaphore(%arg8 : memref<!tpu.dma_semaphore, #tpu.memory_space<semaphore_mem>>)
    %dma_start3A = tpu.memref_slice %arg3[%mul3A_2] : memref<16384xi32, #tpu.memory_space<hbm>> -> memref<512xi32, #tpu.memory_space<hbm>>
    %dma_start3A_3 = tpu.memref_slice %arg3[%mul3A_2] : memref<16384xi32, #tpu.memory_space<hbm>> -> memref<512xi32, #tpu.memory_space<hbm>>
    tpu.enqueue_dma source(%dma_start3A_3 : memref<512xi32, #tpu.memory_space<hbm>>) target(%arg6 : memref<512xi32, #tpu.memory_space<vmem>>) target_semaphore(%arg9 : memref<!tpu.dma_semaphore, #tpu.memory_space<semaphore_mem>>)
    %dma_wait3A = tpu.memref_slice %arg3[%mul3A_2] : memref<16384xi32, #tpu.memory_space<hbm>> -> memref<512xi32, #tpu.memory_space<hbm>>
    %dma_wait3A_4 = tpu.memref_slice %arg3[%mul3A_2] : memref<16384xi32, #tpu.memory_space<hbm>> -> memref<512xi32, #tpu.memory_space<hbm>>
    tpu.wait_dma2 semaphore(%arg9 : memref<!tpu.dma_semaphore, #tpu.memory_space<semaphore_mem>>) src(%dma_wait3A_4 : memref<512xi32, #tpu.memory_space<hbm>>) dst(%arg6 : memref<512xi32, #tpu.memory_space<vmem>>)
    tpu.wait_dma2 semaphore(%arg8 : memref<!tpu.dma_semaphore, #tpu.memory_space<semaphore_mem>>) src(%arg2 : memref<100x16xf32, #tpu.memory_space<hbm>>) dst(%arg5 : memref<100x16xf32, #tpu.memory_space<vmem>>)
    %iota3A = tpu.iota {dimensions = array<i32: 0>} : vector<16xi32>
    %scan3A = arith.constant 0 : i32
    %scan3A_5 = arith.constant 8 : i32
    %scan3A_6 = arith.addi %scan3A, %scan3A_5 : i32
    %scan3A_7 = arith.constant 1 : i32
    scf.for %scan3A_168 = %scan3A to %scan3A_6 step %scan3A_7  : i32 {
      %mul3A_169 = arith.constant 1 : i32
      %mul3A_170 = arith.muli %scan3A_168, %mul3A_169 : i32
      %add3A_171 = arith.constant 0 : i32
      %add3A_172 = arith.addi %add3A_171, %mul3A_170 : i32
      %mul3A_173 = arith.constant 16 : i32
      %mul3A_174 = arith.muli %add3A_172, %mul3A_173 : i32
      %add3A_175 = arith.constant 0 : i32
      %add3A_176 = arith.addi %add3A_175, %mul3A_174 : i32
      %add3A_177 = arith.constant 0 : i32
      %add3A_178 = arith.addi %add3A_176, %add3A_177 : i32
      %broadcast_in_dim3A = vector.broadcast %add3A_178 : i32 to vector<16xi32>
      %gather3A = tpu.vector_load_idx %arg6[%broadcast_in_dim3A] : memref<512xi32, #tpu.memory_space<vmem>>[vector<16xi32>], vector<16xi32>,
      %gather3A_179 = tpu.vector_load_idx %arg5[%gather3A, %iota3A] : memref<100x16xf32, #tpu.memory_space<vmem>>[vector<16xi32>, vector<16xi32>], vector<16xf32>,
      %mul3A_180 = arith.constant 2 : i32
      %mul3A_181 = arith.muli %add3A_172, %mul3A_180 : i32
      %add3A_182 = arith.constant 0 : i32
      %add3A_183 = arith.addi %add3A_182, %mul3A_181 : i32
      %add3A_184 = arith.constant 0 : i32
      %add3A_185 = arith.addi %add3A_183, %add3A_184 : i32
      %swap3A = arith.constant 0 : i32
      %swap3A_186 = arith.index_cast %add3A_185 : i32 to index
      %swap3A_187 = arith.index_cast %swap3A : i32 to index
      %swap3A_188 = arith.constant 0 : index
      %swap3A_189 = tpu.vector_load %arg7[%swap3A_186, %swap3A_187, %swap3A_188] {strides = array<i32>} : memref<64x8x16xf32, #tpu.memory_space<vmem>>, vector<16xf32>,
      tpu.vector_store %arg7[%swap3A_186, %swap3A_187, %swap3A_188], %gather3A_179 {strides = array<i32>} : memref<64x8x16xf32, #tpu.memory_space<vmem>>, vector<16xf32>,
      %mul3A_190 = arith.constant 16 : i32
      %mul3A_191 = arith.muli %add3A_172, %mul3A_190 : i32
      %add3A_192 = arith.constant 0 : i32
      %add3A_193 = arith.addi %add3A_192, %mul3A_191 : i32
      %add3A_194 = arith.constant 1 : i32
      %add3A_195 = arith.addi %add3A_193, %add3A_194 : i32
      %broadcast_in_dim3A_196 = vector.broadcast %add3A_195 : i32 to vector<16xi32>
      %gather3A_197 = tpu.vector_load_idx %arg6[%broadcast_in_dim3A_196] : memref<512xi32, #tpu.memory_space<vmem>>[vector<16xi32>], vector<16xi32>,
      %gather3A_198 = tpu.vector_load_idx %arg5[%gather3A_197, %iota3A] : memref<100x16xf32, #tpu.memory_space<vmem>>[vector<16xi32>, vector<16xi32>], vector<16xf32>,
      %mul3A_199 = arith.constant 2 : i32
      %mul3A_200 = arith.muli %add3A_172, %mul3A_199 : i32
      %add3A_201 = arith.constant 0 : i32
      %add3A_202 = arith.addi %add3A_201, %mul3A_200 : i32
      %add3A_203 = arith.constant 0 : i32
      %add3A_204 = arith.addi %add3A_202, %add3A_203 : i32
      %swap3A_205 = arith.constant 1 : i32
      %swap3A_206 = arith.index_cast %add3A_204 : i32 to index
      %swap3A_207 = arith.index_cast %swap3A_205 : i32 to index
      %swap3A_208 = arith.constant 0 : index
      %swap3A_209 = tpu.vector_load %arg7[%swap3A_206, %swap3A_207, %swap3A_208] {strides = array<i32>} : memref<64x8x16xf32, #tpu.memory_space<vmem>>, vector<16xf32>,
      tpu.vector_store %arg7[%swap3A_206, %swap3A_207, %swap3A_208], %gather3A_198 {strides = array<i32>} : memref<64x8x16xf32, #tpu.memory_space<vmem>>, vector<16xf32>,
      %mul3A_210 = arith.constant 16 : i32
      %mul3A_211 = arith.muli %add3A_172, %mul3A_210 : i32
      %add3A_212 = arith.constant 0 : i32
      %add3A_213 = arith.addi %add3A_212, %mul3A_211 : i32
      %add3A_214 = arith.constant 2 : i32
      %add3A_215 = arith.addi %add3A_213, %add3A_214 : i32
      %broadcast_in_dim3A_216 = vector.broadcast %add3A_215 : i32 to vector<16xi32>
      %gather3A_217 = tpu.vector_load_idx %arg6[%broadcast_in_dim3A_216] : memref<512xi32, #tpu.memory_space<vmem>>[vector<16xi32>], vector<16xi32>,
      %gather3A_218 = tpu.vector_load_idx %arg5[%gather3A_217, %iota3A] : memref<100x16xf32, #tpu.memory_space<vmem>>[vector<16xi32>, vector<16xi32>], vector<16xf32>,
      %mul3A_219 = arith.constant 2 : i32
      %mul3A_220 = arith.muli %add3A_172, %mul3A_219 : i32
      %add3A_221 = arith.constant 0 : i32
      %add3A_222 = arith.addi %add3A_221, %mul3A_220 : i32
      %add3A_223 = arith.constant 0 : i32
      %add3A_224 = arith.addi %add3A_222, %add3A_223 : i32
      %swap3A_225 = arith.constant 2 : i32
      %swap3A_226 = arith.index_cast %add3A_224 : i32 to index
      %swap3A_227 = arith.index_cast %swap3A_225 : i32 to index
      %swap3A_228 = arith.constant 0 : index
      %swap3A_229 = tpu.vector_load %arg7[%swap3A_226, %swap3A_227, %swap3A_228] {strides = array<i32>} : memref<64x8x16xf32, #tpu.memory_space<vmem>>, vector<16xf32>,
      tpu.vector_store %arg7[%swap3A_226, %swap3A_227, %swap3A_228], %gather3A_218 {strides = array<i32>} : memref<64x8x16xf32, #tpu.memory_space<vmem>>, vector<16xf32>,
      %mul3A_230 = arith.constant 16 : i32
      %mul3A_231 = arith.muli %add3A_172, %mul3A_230 : i32
      %add3A_232 = arith.constant 0 : i32
      %add3A_233 = arith.addi %add3A_232, %mul3A_231 : i32
      %add3A_234 = arith.constant 3 : i32
      %add3A_235 = arith.addi %add3A_233, %add3A_234 : i32
      %broadcast_in_dim3A_236 = vector.broadcast %add3A_235 : i32 to vector<16xi32>
      %gather3A_237 = tpu.vector_load_idx %arg6[%broadcast_in_dim3A_236] : memref<512xi32, #tpu.memory_space<vmem>>[vector<16xi32>], vector<16xi32>,
      %gather3A_238 = tpu.vector_load_idx %arg5[%gather3A_237, %iota3A] : memref<100x16xf32, #tpu.memory_space<vmem>>[vector<16xi32>, vector<16xi32>], vector<16xf32>,
      %mul3A_239 = arith.constant 2 : i32
      %mul3A_240 = arith.muli %add3A_172, %mul3A_239 : i32
      %add3A_241 = arith.constant 0 : i32
      %add3A_242 = arith.addi %add3A_241, %mul3A_240 : i32
      %add3A_243 = arith.constant 0 : i32
      %add3A_244 = arith.addi %add3A_242, %add3A_243 : i32
      %swap3A_245 = arith.constant 3 : i32
      %swap3A_246 = arith.index_cast %add3A_244 : i32 to index
      %swap3A_247 = arith.index_cast %swap3A_245 : i32 to index
      %swap3A_248 = arith.constant 0 : index
      %swap3A_249 = tpu.vector_load %arg7[%swap3A_246, %swap3A_247, %swap3A_248] {strides = array<i32>} : memref<64x8x16xf32, #tpu.memory_space<vmem>>, vector<16xf32>,
      tpu.vector_store %arg7[%swap3A_246, %swap3A_247, %swap3A_248], %gather3A_238 {strides = array<i32>} : memref<64x8x16xf32, #tpu.memory_space<vmem>>, vector<16xf32>,
      %mul3A_250 = arith.constant 16 : i32
      %mul3A_251 = arith.muli %add3A_172, %mul3A_250 : i32
      %add3A_252 = arith.constant 0 : i32
      %add3A_253 = arith.addi %add3A_252, %mul3A_251 : i32
      %add3A_254 = arith.constant 4 : i32
      %add3A_255 = arith.addi %add3A_253, %add3A_254 : i32
      %broadcast_in_dim3A_256 = vector.broadcast %add3A_255 : i32 to vector<16xi32>
      %gather3A_257 = tpu.vector_load_idx %arg6[%broadcast_in_dim3A_256] : memref<512xi32, #tpu.memory_space<vmem>>[vector<16xi32>], vector<16xi32>,
      %gather3A_258 = tpu.vector_load_idx %arg5[%gather3A_257, %iota3A] : memref<100x16xf32, #tpu.memory_space<vmem>>[vector<16xi32>, vector<16xi32>], vector<16xf32>,
      %mul3A_259 = arith.constant 2 : i32
      %mul3A_260 = arith.muli %add3A_172, %mul3A_259 : i32
      %add3A_261 = arith.constant 0 : i32
      %add3A_262 = arith.addi %add3A_261, %mul3A_260 : i32
      %add3A_263 = arith.constant 0 : i32
      %add3A_264 = arith.addi %add3A_262, %add3A_263 : i32
      %swap3A_265 = arith.constant 4 : i32
      %swap3A_266 = arith.index_cast %add3A_264 : i32 to index
      %swap3A_267 = arith.index_cast %swap3A_265 : i32 to index
      %swap3A_268 = arith.constant 0 : index
      %swap3A_269 = tpu.vector_load %arg7[%swap3A_266, %swap3A_267, %swap3A_268] {strides = array<i32>} : memref<64x8x16xf32, #tpu.memory_space<vmem>>, vector<16xf32>,
      tpu.vector_store %arg7[%swap3A_266, %swap3A_267, %swap3A_268], %gather3A_258 {strides = array<i32>} : memref<64x8x16xf32, #tpu.memory_space<vmem>>, vector<16xf32>,
      %mul3A_270 = arith.constant 16 : i32
      %mul3A_271 = arith.muli %add3A_172, %mul3A_270 : i32
      %add3A_272 = arith.constant 0 : i32
      %add3A_273 = arith.addi %add3A_272, %mul3A_271 : i32
      %add3A_274 = arith.constant 5 : i32
      %add3A_275 = arith.addi %add3A_273, %add3A_274 : i32
      %broadcast_in_dim3A_276 = vector.broadcast %add3A_275 : i32 to vector<16xi32>
      %gather3A_277 = tpu.vector_load_idx %arg6[%broadcast_in_dim3A_276] : memref<512xi32, #tpu.memory_space<vmem>>[vector<16xi32>], vector<16xi32>,
      %gather3A_278 = tpu.vector_load_idx %arg5[%gather3A_277, %iota3A] : memref<100x16xf32, #tpu.memory_space<vmem>>[vector<16xi32>, vector<16xi32>], vector<16xf32>,
      %mul3A_279 = arith.constant 2 : i32
      %mul3A_280 = arith.muli %add3A_172, %mul3A_279 : i32
      %add3A_281 = arith.constant 0 : i32
      %add3A_282 = arith.addi %add3A_281, %mul3A_280 : i32
      %add3A_283 = arith.constant 0 : i32
      %add3A_284 = arith.addi %add3A_282, %add3A_283 : i32
      %swap3A_285 = arith.constant 5 : i32
      %swap3A_286 = arith.index_cast %add3A_284 : i32 to index
      %swap3A_287 = arith.index_cast %swap3A_285 : i32 to index
      %swap3A_288 = arith.constant 0 : index
      %swap3A_289 = tpu.vector_load %arg7[%swap3A_286, %swap3A_287, %swap3A_288] {strides = array<i32>} : memref<64x8x16xf32, #tpu.memory_space<vmem>>, vector<16xf32>,
      tpu.vector_store %arg7[%swap3A_286, %swap3A_287, %swap3A_288], %gather3A_278 {strides = array<i32>} : memref<64x8x16xf32, #tpu.memory_space<vmem>>, vector<16xf32>,
      %mul3A_290 = arith.constant 16 : i32
      %mul3A_291 = arith.muli %add3A_172, %mul3A_290 : i32
      %add3A_292 = arith.constant 0 : i32
      %add3A_293 = arith.addi %add3A_292, %mul3A_291 : i32
      %add3A_294 = arith.constant 6 : i32
      %add3A_295 = arith.addi %add3A_293, %add3A_294 : i32
      %broadcast_in_dim3A_296 = vector.broadcast %add3A_295 : i32 to vector<16xi32>
      %gather3A_297 = tpu.vector_load_idx %arg6[%broadcast_in_dim3A_296] : memref<512xi32, #tpu.memory_space<vmem>>[vector<16xi32>], vector<16xi32>,
      %gather3A_298 = tpu.vector_load_idx %arg5[%gather3A_297, %iota3A] : memref<100x16xf32, #tpu.memory_space<vmem>>[vector<16xi32>, vector<16xi32>], vector<16xf32>,
      %mul3A_299 = arith.constant 2 : i32
      %mul3A_300 = arith.muli %add3A_172, %mul3A_299 : i32
      %add3A_301 = arith.constant 0 : i32
      %add3A_302 = arith.addi %add3A_301, %mul3A_300 : i32
      %add3A_303 = arith.constant 0 : i32
      %add3A_304 = arith.addi %add3A_302, %add3A_303 : i32
      %swap3A_305 = arith.constant 6 : i32
      %swap3A_306 = arith.index_cast %add3A_304 : i32 to index
      %swap3A_307 = arith.index_cast %swap3A_305 : i32 to index
      %swap3A_308 = arith.constant 0 : index
      %swap3A_309 = tpu.vector_load %arg7[%swap3A_306, %swap3A_307, %swap3A_308] {strides = array<i32>} : memref<64x8x16xf32, #tpu.memory_space<vmem>>, vector<16xf32>,
      tpu.vector_store %arg7[%swap3A_306, %swap3A_307, %swap3A_308], %gather3A_298 {strides = array<i32>} : memref<64x8x16xf32, #tpu.memory_space<vmem>>, vector<16xf32>,
      %mul3A_310 = arith.constant 16 : i32
      %mul3A_311 = arith.muli %add3A_172, %mul3A_310 : i32
      %add3A_312 = arith.constant 0 : i32
      %add3A_313 = arith.addi %add3A_312, %mul3A_311 : i32
      %add3A_314 = arith.constant 7 : i32
      %add3A_315 = arith.addi %add3A_313, %add3A_314 : i32
      %broadcast_in_dim3A_316 = vector.broadcast %add3A_315 : i32 to vector<16xi32>
      %gather3A_317 = tpu.vector_load_idx %arg6[%broadcast_in_dim3A_316] : memref<512xi32, #tpu.memory_space<vmem>>[vector<16xi32>], vector<16xi32>,
      %gather3A_318 = tpu.vector_load_idx %arg5[%gather3A_317, %iota3A] : memref<100x16xf32, #tpu.memory_space<vmem>>[vector<16xi32>, vector<16xi32>], vector<16xf32>,
      %mul3A_319 = arith.constant 2 : i32
      %mul3A_320 = arith.muli %add3A_172, %mul3A_319 : i32
      %add3A_321 = arith.constant 0 : i32
      %add3A_322 = arith.addi %add3A_321, %mul3A_320 : i32
      %add3A_323 = arith.constant 0 : i32
      %add3A_324 = arith.addi %add3A_322, %add3A_323 : i32
      %swap3A_325 = arith.constant 7 : i32
      %swap3A_326 = arith.index_cast %add3A_324 : i32 to index
      %swap3A_327 = arith.index_cast %swap3A_325 : i32 to index
      %swap3A_328 = arith.constant 0 : index
      %swap3A_329 = tpu.vector_load %arg7[%swap3A_326, %swap3A_327, %swap3A_328] {strides = array<i32>} : memref<64x8x16xf32, #tpu.memory_space<vmem>>, vector<16xf32>,
      tpu.vector_store %arg7[%swap3A_326, %swap3A_327, %swap3A_328], %gather3A_318 {strides = array<i32>} : memref<64x8x16xf32, #tpu.memory_space<vmem>>, vector<16xf32>,
      %mul3A_330 = arith.constant 16 : i32
      %mul3A_331 = arith.muli %add3A_172, %mul3A_330 : i32
      %add3A_332 = arith.constant 0 : i32
      %add3A_333 = arith.addi %add3A_332, %mul3A_331 : i32
      %add3A_334 = arith.constant 8 : i32
      %add3A_335 = arith.addi %add3A_333, %add3A_334 : i32
      %broadcast_in_dim3A_336 = vector.broadcast %add3A_335 : i32 to vector<16xi32>
      %gather3A_337 = tpu.vector_load_idx %arg6[%broadcast_in_dim3A_336] : memref<512xi32, #tpu.memory_space<vmem>>[vector<16xi32>], vector<16xi32>,
      %gather3A_338 = tpu.vector_load_idx %arg5[%gather3A_337, %iota3A] : memref<100x16xf32, #tpu.memory_space<vmem>>[vector<16xi32>, vector<16xi32>], vector<16xf32>,
      %mul3A_339 = arith.constant 2 : i32
      %mul3A_340 = arith.muli %add3A_172, %mul3A_339 : i32
      %add3A_341 = arith.constant 0 : i32
      %add3A_342 = arith.addi %add3A_341, %mul3A_340 : i32
      %add3A_343 = arith.constant 1 : i32
      %add3A_344 = arith.addi %add3A_342, %add3A_343 : i32
      %swap3A_345 = arith.constant 0 : i32
      %swap3A_346 = arith.index_cast %add3A_344 : i32 to index
      %swap3A_347 = arith.index_cast %swap3A_345 : i32 to index
      %swap3A_348 = arith.constant 0 : index
      %swap3A_349 = tpu.vector_load %arg7[%swap3A_346, %swap3A_347, %swap3A_348] {strides = array<i32>} : memref<64x8x16xf32, #tpu.memory_space<vmem>>, vector<16xf32>,
      tpu.vector_store %arg7[%swap3A_346, %swap3A_347, %swap3A_348], %gather3A_338 {strides = array<i32>} : memref<64x8x16xf32, #tpu.memory_space<vmem>>, vector<16xf32>,
      %mul3A_350 = arith.constant 16 : i32
      %mul3A_351 = arith.muli %add3A_172, %mul3A_350 : i32
      %add3A_352 = arith.constant 0 : i32
      %add3A_353 = arith.addi %add3A_352, %mul3A_351 : i32
      %add3A_354 = arith.constant 9 : i32
      %add3A_355 = arith.addi %add3A_353, %add3A_354 : i32
      %broadcast_in_dim3A_356 = vector.broadcast %add3A_355 : i32 to vector<16xi32>
      %gather3A_357 = tpu.vector_load_idx %arg6[%broadcast_in_dim3A_356] : memref<512xi32, #tpu.memory_space<vmem>>[vector<16xi32>], vector<16xi32>,
      %gather3A_358 = tpu.vector_load_idx %arg5[%gather3A_357, %iota3A] : memref<100x16xf32, #tpu.memory_space<vmem>>[vector<16xi32>, vector<16xi32>], vector<16xf32>,
      %mul3A_359 = arith.constant 2 : i32
      %mul3A_360 = arith.muli %add3A_172, %mul3A_359 : i32
      %add3A_361 = arith.constant 0 : i32
      %add3A_362 = arith.addi %add3A_361, %mul3A_360 : i32
      %add3A_363 = arith.constant 1 : i32
      %add3A_364 = arith.addi %add3A_362, %add3A_363 : i32
      %swap3A_365 = arith.constant 1 : i32
      %swap3A_366 = arith.index_cast %add3A_364 : i32 to index
      %swap3A_367 = arith.index_cast %swap3A_365 : i32 to index
      %swap3A_368 = arith.constant 0 : index
      %swap3A_369 = tpu.vector_load %arg7[%swap3A_366, %swap3A_367, %swap3A_368] {strides = array<i32>} : memref<64x8x16xf32, #tpu.memory_space<vmem>>, vector<16xf32>,
      tpu.vector_store %arg7[%swap3A_366, %swap3A_367, %swap3A_368], %gather3A_358 {strides = array<i32>} : memref<64x8x16xf32, #tpu.memory_space<vmem>>, vector<16xf32>,
      %mul3A_370 = arith.constant 16 : i32
      %mul3A_371 = arith.muli %add3A_172, %mul3A_370 : i32
      %add3A_372 = arith.constant 0 : i32
      %add3A_373 = arith.addi %add3A_372, %mul3A_371 : i32
      %add3A_374 = arith.constant 10 : i32
      %add3A_375 = arith.addi %add3A_373, %add3A_374 : i32
      %broadcast_in_dim3A_376 = vector.broadcast %add3A_375 : i32 to vector<16xi32>
      %gather3A_377 = tpu.vector_load_idx %arg6[%broadcast_in_dim3A_376] : memref<512xi32, #tpu.memory_space<vmem>>[vector<16xi32>], vector<16xi32>,
      %gather3A_378 = tpu.vector_load_idx %arg5[%gather3A_377, %iota3A] : memref<100x16xf32, #tpu.memory_space<vmem>>[vector<16xi32>, vector<16xi32>], vector<16xf32>,
      %mul3A_379 = arith.constant 2 : i32
      %mul3A_380 = arith.muli %add3A_172, %mul3A_379 : i32
      %add3A_381 = arith.constant 0 : i32
      %add3A_382 = arith.addi %add3A_381, %mul3A_380 : i32
      %add3A_383 = arith.constant 1 : i32
      %add3A_384 = arith.addi %add3A_382, %add3A_383 : i32
      %swap3A_385 = arith.constant 2 : i32
      %swap3A_386 = arith.index_cast %add3A_384 : i32 to index
      %swap3A_387 = arith.index_cast %swap3A_385 : i32 to index
      %swap3A_388 = arith.constant 0 : index
      %swap3A_389 = tpu.vector_load %arg7[%swap3A_386, %swap3A_387, %swap3A_388] {strides = array<i32>} : memref<64x8x16xf32, #tpu.memory_space<vmem>>, vector<16xf32>,
      tpu.vector_store %arg7[%swap3A_386, %swap3A_387, %swap3A_388], %gather3A_378 {strides = array<i32>} : memref<64x8x16xf32, #tpu.memory_space<vmem>>, vector<16xf32>,
      %mul3A_390 = arith.constant 16 : i32
      %mul3A_391 = arith.muli %add3A_172, %mul3A_390 : i32
      %add3A_392 = arith.constant 0 : i32
      %add3A_393 = arith.addi %add3A_392, %mul3A_391 : i32
      %add3A_394 = arith.constant 11 : i32
      %add3A_395 = arith.addi %add3A_393, %add3A_394 : i32
      %broadcast_in_dim3A_396 = vector.broadcast %add3A_395 : i32 to vector<16xi32>
      %gather3A_397 = tpu.vector_load_idx %arg6[%broadcast_in_dim3A_396] : memref<512xi32, #tpu.memory_space<vmem>>[vector<16xi32>], vector<16xi32>,
      %gather3A_398 = tpu.vector_load_idx %arg5[%gather3A_397, %iota3A] : memref<100x16xf32, #tpu.memory_space<vmem>>[vector<16xi32>, vector<16xi32>], vector<16xf32>,
      %mul3A_399 = arith.constant 2 : i32
      %mul3A_400 = arith.muli %add3A_172, %mul3A_399 : i32
      %add3A_401 = arith.constant 0 : i32
      %add3A_402 = arith.addi %add3A_401, %mul3A_400 : i32
      %add3A_403 = arith.constant 1 : i32
      %add3A_404 = arith.addi %add3A_402, %add3A_403 : i32
      %swap3A_405 = arith.constant 3 : i32
      %swap3A_406 = arith.index_cast %add3A_404 : i32 to index
      %swap3A_407 = arith.index_cast %swap3A_405 : i32 to index
      %swap3A_408 = arith.constant 0 : index
      %swap3A_409 = tpu.vector_load %arg7[%swap3A_406, %swap3A_407, %swap3A_408] {strides = array<i32>} : memref<64x8x16xf32, #tpu.memory_space<vmem>>, vector<16xf32>,
      tpu.vector_store %arg7[%swap3A_406, %swap3A_407, %swap3A_408], %gather3A_398 {strides = array<i32>} : memref<64x8x16xf32, #tpu.memory_space<vmem>>, vector<16xf32>,
      %mul3A_410 = arith.constant 16 : i32
      %mul3A_411 = arith.muli %add3A_172, %mul3A_410 : i32
      %add3A_412 = arith.constant 0 : i32
      %add3A_413 = arith.addi %add3A_412, %mul3A_411 : i32
      %add3A_414 = arith.constant 12 : i32
      %add3A_415 = arith.addi %add3A_413, %add3A_414 : i32
      %broadcast_in_dim3A_416 = vector.broadcast %add3A_415 : i32 to vector<16xi32>
      %gather3A_417 = tpu.vector_load_idx %arg6[%broadcast_in_dim3A_416] : memref<512xi32, #tpu.memory_space<vmem>>[vector<16xi32>], vector<16xi32>,
      %gather3A_418 = tpu.vector_load_idx %arg5[%gather3A_417, %iota3A] : memref<100x16xf32, #tpu.memory_space<vmem>>[vector<16xi32>, vector<16xi32>], vector<16xf32>,
      %mul3A_419 = arith.constant 2 : i32
      %mul3A_420 = arith.muli %add3A_172, %mul3A_419 : i32
      %add3A_421 = arith.constant 0 : i32
      %add3A_422 = arith.addi %add3A_421, %mul3A_420 : i32
      %add3A_423 = arith.constant 1 : i32
      %add3A_424 = arith.addi %add3A_422, %add3A_423 : i32
      %swap3A_425 = arith.constant 4 : i32
      %swap3A_426 = arith.index_cast %add3A_424 : i32 to index
      %swap3A_427 = arith.index_cast %swap3A_425 : i32 to index
      %swap3A_428 = arith.constant 0 : index
      %swap3A_429 = tpu.vector_load %arg7[%swap3A_426, %swap3A_427, %swap3A_428] {strides = array<i32>} : memref<64x8x16xf32, #tpu.memory_space<vmem>>, vector<16xf32>,
      tpu.vector_store %arg7[%swap3A_426, %swap3A_427, %swap3A_428], %gather3A_418 {strides = array<i32>} : memref<64x8x16xf32, #tpu.memory_space<vmem>>, vector<16xf32>,
      %mul3A_430 = arith.constant 16 : i32
      %mul3A_431 = arith.muli %add3A_172, %mul3A_430 : i32
      %add3A_432 = arith.constant 0 : i32
      %add3A_433 = arith.addi %add3A_432, %mul3A_431 : i32
      %add3A_434 = arith.constant 13 : i32
      %add3A_435 = arith.addi %add3A_433, %add3A_434 : i32
      %broadcast_in_dim3A_436 = vector.broadcast %add3A_435 : i32 to vector<16xi32>
      %gather3A_437 = tpu.vector_load_idx %arg6[%broadcast_in_dim3A_436] : memref<512xi32, #tpu.memory_space<vmem>>[vector<16xi32>], vector<16xi32>,
      %gather3A_438 = tpu.vector_load_idx %arg5[%gather3A_437, %iota3A] : memref<100x16xf32, #tpu.memory_space<vmem>>[vector<16xi32>, vector<16xi32>], vector<16xf32>,
      %mul3A_439 = arith.constant 2 : i32
      %mul3A_440 = arith.muli %add3A_172, %mul3A_439 : i32
      %add3A_441 = arith.constant 0 : i32
      %add3A_442 = arith.addi %add3A_441, %mul3A_440 : i32
      %add3A_443 = arith.constant 1 : i32
      %add3A_444 = arith.addi %add3A_442, %add3A_443 : i32
      %swap3A_445 = arith.constant 5 : i32
      %swap3A_446 = arith.index_cast %add3A_444 : i32 to index
      %swap3A_447 = arith.index_cast %swap3A_445 : i32 to index
      %swap3A_448 = arith.constant 0 : index
      %swap3A_449 = tpu.vector_load %arg7[%swap3A_446, %swap3A_447, %swap3A_448] {strides = array<i32>} : memref<64x8x16xf32, #tpu.memory_space<vmem>>, vector<16xf32>,
      tpu.vector_store %arg7[%swap3A_446, %swap3A_447, %swap3A_448], %gather3A_438 {strides = array<i32>} : memref<64x8x16xf32, #tpu.memory_space<vmem>>, vector<16xf32>,
      %mul3A_450 = arith.constant 16 : i32
      %mul3A_451 = arith.muli %add3A_172, %mul3A_450 : i32
      %add3A_452 = arith.constant 0 : i32
      %add3A_453 = arith.addi %add3A_452, %mul3A_451 : i32
      %add3A_454 = arith.constant 14 : i32
      %add3A_455 = arith.addi %add3A_453, %add3A_454 : i32
      %broadcast_in_dim3A_456 = vector.broadcast %add3A_455 : i32 to vector<16xi32>
      %gather3A_457 = tpu.vector_load_idx %arg6[%broadcast_in_dim3A_456] : memref<512xi32, #tpu.memory_space<vmem>>[vector<16xi32>], vector<16xi32>,
      %gather3A_458 = tpu.vector_load_idx %arg5[%gather3A_457, %iota3A] : memref<100x16xf32, #tpu.memory_space<vmem>>[vector<16xi32>, vector<16xi32>], vector<16xf32>,
      %mul3A_459 = arith.constant 2 : i32
      %mul3A_460 = arith.muli %add3A_172, %mul3A_459 : i32
      %add3A_461 = arith.constant 0 : i32
      %add3A_462 = arith.addi %add3A_461, %mul3A_460 : i32
      %add3A_463 = arith.constant 1 : i32
      %add3A_464 = arith.addi %add3A_462, %add3A_463 : i32
      %swap3A_465 = arith.constant 6 : i32
      %swap3A_466 = arith.index_cast %add3A_464 : i32 to index
      %swap3A_467 = arith.index_cast %swap3A_465 : i32 to index
      %swap3A_468 = arith.constant 0 : index
      %swap3A_469 = tpu.vector_load %arg7[%swap3A_466, %swap3A_467, %swap3A_468] {strides = array<i32>} : memref<64x8x16xf32, #tpu.memory_space<vmem>>, vector<16xf32>,
      tpu.vector_store %arg7[%swap3A_466, %swap3A_467, %swap3A_468], %gather3A_458 {strides = array<i32>} : memref<64x8x16xf32, #tpu.memory_space<vmem>>, vector<16xf32>,
      %mul3A_470 = arith.constant 16 : i32
      %mul3A_471 = arith.muli %add3A_172, %mul3A_470 : i32
      %add3A_472 = arith.constant 0 : i32
      %add3A_473 = arith.addi %add3A_472, %mul3A_471 : i32
      %add3A_474 = arith.constant 15 : i32
      %add3A_475 = arith.addi %add3A_473, %add3A_474 : i32
      %broadcast_in_dim3A_476 = vector.broadcast %add3A_475 : i32 to vector<16xi32>
      %gather3A_477 = tpu.vector_load_idx %arg6[%broadcast_in_dim3A_476] : memref<512xi32, #tpu.memory_space<vmem>>[vector<16xi32>], vector<16xi32>,
      %gather3A_478 = tpu.vector_load_idx %arg5[%gather3A_477, %iota3A] : memref<100x16xf32, #tpu.memory_space<vmem>>[vector<16xi32>, vector<16xi32>], vector<16xf32>,
      %mul3A_479 = arith.constant 2 : i32
      %mul3A_480 = arith.muli %add3A_172, %mul3A_479 : i32
      %add3A_481 = arith.constant 0 : i32
      %add3A_482 = arith.addi %add3A_481, %mul3A_480 : i32
      %add3A_483 = arith.constant 1 : i32
      %add3A_484 = arith.addi %add3A_482, %add3A_483 : i32
      %swap3A_485 = arith.constant 7 : i32
      %swap3A_486 = arith.index_cast %add3A_484 : i32 to index
      %swap3A_487 = arith.index_cast %swap3A_485 : i32 to index
      %swap3A_488 = arith.constant 0 : index
      %swap3A_489 = tpu.vector_load %arg7[%swap3A_486, %swap3A_487, %swap3A_488] {strides = array<i32>} : memref<64x8x16xf32, #tpu.memory_space<vmem>>, vector<16xf32>,
      tpu.vector_store %arg7[%swap3A_486, %swap3A_487, %swap3A_488], %gather3A_478 {strides = array<i32>} : memref<64x8x16xf32, #tpu.memory_space<vmem>>, vector<16xf32>,
    }
    %scan3A_8 = arith.constant 8 : i32
    %mul3A_9 = arith.constant 64 : i32
    %mul3A_10 = arith.muli %add3A, %mul3A_9 : i32
    %add3A_11 = arith.constant 0 : i32
    %add3A_12 = arith.addi %mul3A_10, %add3A_11 : i32
    %dma_start3A_13 = arith.constant 0 : i32
    %dma_start3A_14 = arith.constant 0 : i32
    %dma_start3A_15 = arith.constant 0 : i32
    %dma_start3A_16 = tpu.memref_slice %arg7[%dma_start3A_13, %dma_start3A_14, %dma_start3A_15] : memref<64x8x16xf32, #tpu.memory_space<vmem>> -> memref<16x8x16xf32, #tpu.memory_space<vmem>>
    %dma_start3A_17 = tpu.memref_reshape %arg4 : memref<16384x16xf32, #tpu.memory_space<hbm>> -> memref<2048x8x16xf32, #tpu.memory_space<hbm>>
    %dma_start3A_18 = arith.constant 0 : i32
    %dma_start3A_19 = arith.constant 0 : i32
    %dma_start3A_20 = tpu.memref_slice %dma_start3A_17[%add3A_12, %dma_start3A_18, %dma_start3A_19] : memref<2048x8x16xf32, #tpu.memory_space<hbm>> -> memref<16x8x16xf32, #tpu.memory_space<hbm>>
    %dma_start3A_21 = tpu.memref_reshape %arg4 : memref<16384x16xf32, #tpu.memory_space<hbm>> -> memref<2048x8x16xf32, #tpu.memory_space<hbm>>
    %dma_start3A_22 = arith.constant 0 : i32
    %dma_start3A_23 = arith.constant 0 : i32
    %dma_start3A_24 = tpu.memref_slice %dma_start3A_21[%add3A_12, %dma_start3A_22, %dma_start3A_23] : memref<2048x8x16xf32, #tpu.memory_space<hbm>> -> memref<16x8x16xf32, #tpu.memory_space<hbm>>
    %dma_start3A_25 = arith.constant 0 : i32
    %dma_start3A_26 = arith.constant 0 : i32
    %dma_start3A_27 = arith.constant 0 : i32
    %dma_start3A_28 = tpu.memref_slice %arg7[%dma_start3A_25, %dma_start3A_26, %dma_start3A_27] : memref<64x8x16xf32, #tpu.memory_space<vmem>> -> memref<16x8x16xf32, #tpu.memory_space<vmem>>
    tpu.enqueue_dma source(%dma_start3A_28 : memref<16x8x16xf32, #tpu.memory_space<vmem>>) target(%dma_start3A_24 : memref<16x8x16xf32, #tpu.memory_space<hbm>>) target_semaphore(%arg10 : memref<!tpu.dma_semaphore, #tpu.memory_space<semaphore_mem>>)
    %scan3A_29 = arith.constant 0 : i32
    %scan3A_30 = arith.constant 8 : i32
    %scan3A_31 = arith.addi %scan3A_29, %scan3A_30 : i32
    %scan3A_32 = arith.constant 1 : i32
    scf.for %scan3A_168 = %scan3A_29 to %scan3A_31 step %scan3A_32  : i32 {
      %mul3A_169 = arith.constant 1 : i32
      %mul3A_170 = arith.muli %scan3A_168, %mul3A_169 : i32
      %add3A_171 = arith.constant 0 : i32
      %add3A_172 = arith.addi %add3A_171, %mul3A_170 : i32
      %mul3A_173 = arith.constant 16 : i32
      %mul3A_174 = arith.muli %add3A_172, %mul3A_173 : i32
      %add3A_175 = arith.constant 128 : i32
      %add3A_176 = arith.addi %add3A_175, %mul3A_174 : i32
      %add3A_177 = arith.constant 0 : i32
      %add3A_178 = arith.addi %add3A_176, %add3A_177 : i32
      %broadcast_in_dim3A = vector.broadcast %add3A_178 : i32 to vector<16xi32>
      %gather3A = tpu.vector_load_idx %arg6[%broadcast_in_dim3A] : memref<512xi32, #tpu.memory_space<vmem>>[vector<16xi32>], vector<16xi32>,
      %gather3A_179 = tpu.vector_load_idx %arg5[%gather3A, %iota3A] : memref<100x16xf32, #tpu.memory_space<vmem>>[vector<16xi32>, vector<16xi32>], vector<16xf32>,
      %mul3A_180 = arith.constant 2 : i32
      %mul3A_181 = arith.muli %add3A_172, %mul3A_180 : i32
      %add3A_182 = arith.constant 16 : i32
      %add3A_183 = arith.addi %add3A_182, %mul3A_181 : i32
      %add3A_184 = arith.constant 0 : i32
      %add3A_185 = arith.addi %add3A_183, %add3A_184 : i32
      %swap3A = arith.constant 0 : i32
      %swap3A_186 = arith.index_cast %add3A_185 : i32 to index
      %swap3A_187 = arith.index_cast %swap3A : i32 to index
      %swap3A_188 = arith.constant 0 : index
      %swap3A_189 = tpu.vector_load %arg7[%swap3A_186, %swap3A_187, %swap3A_188] {strides = array<i32>} : memref<64x8x16xf32, #tpu.memory_space<vmem>>, vector<16xf32>,
      tpu.vector_store %arg7[%swap3A_186, %swap3A_187, %swap3A_188], %gather3A_179 {strides = array<i32>} : memref<64x8x16xf32, #tpu.memory_space<vmem>>, vector<16xf32>,
      %mul3A_190 = arith.constant 16 : i32
      %mul3A_191 = arith.muli %add3A_172, %mul3A_190 : i32
      %add3A_192 = arith.constant 128 : i32
      %add3A_193 = arith.addi %add3A_192, %mul3A_191 : i32
      %add3A_194 = arith.constant 1 : i32
      %add3A_195 = arith.addi %add3A_193, %add3A_194 : i32
      %broadcast_in_dim3A_196 = vector.broadcast %add3A_195 : i32 to vector<16xi32>
      %gather3A_197 = tpu.vector_load_idx %arg6[%broadcast_in_dim3A_196] : memref<512xi32, #tpu.memory_space<vmem>>[vector<16xi32>], vector<16xi32>,
      %gather3A_198 = tpu.vector_load_idx %arg5[%gather3A_197, %iota3A] : memref<100x16xf32, #tpu.memory_space<vmem>>[vector<16xi32>, vector<16xi32>], vector<16xf32>,
      %mul3A_199 = arith.constant 2 : i32
      %mul3A_200 = arith.muli %add3A_172, %mul3A_199 : i32
      %add3A_201 = arith.constant 16 : i32
      %add3A_202 = arith.addi %add3A_201, %mul3A_200 : i32
      %add3A_203 = arith.constant 0 : i32
      %add3A_204 = arith.addi %add3A_202, %add3A_203 : i32
      %swap3A_205 = arith.constant 1 : i32
      %swap3A_206 = arith.index_cast %add3A_204 : i32 to index
      %swap3A_207 = arith.index_cast %swap3A_205 : i32 to index
      %swap3A_208 = arith.constant 0 : index
      %swap3A_209 = tpu.vector_load %arg7[%swap3A_206, %swap3A_207, %swap3A_208] {strides = array<i32>} : memref<64x8x16xf32, #tpu.memory_space<vmem>>, vector<16xf32>,
      tpu.vector_store %arg7[%swap3A_206, %swap3A_207, %swap3A_208], %gather3A_198 {strides = array<i32>} : memref<64x8x16xf32, #tpu.memory_space<vmem>>, vector<16xf32>,
      %mul3A_210 = arith.constant 16 : i32
      %mul3A_211 = arith.muli %add3A_172, %mul3A_210 : i32
      %add3A_212 = arith.constant 128 : i32
      %add3A_213 = arith.addi %add3A_212, %mul3A_211 : i32
      %add3A_214 = arith.constant 2 : i32
      %add3A_215 = arith.addi %add3A_213, %add3A_214 : i32
      %broadcast_in_dim3A_216 = vector.broadcast %add3A_215 : i32 to vector<16xi32>
      %gather3A_217 = tpu.vector_load_idx %arg6[%broadcast_in_dim3A_216] : memref<512xi32, #tpu.memory_space<vmem>>[vector<16xi32>], vector<16xi32>,
      %gather3A_218 = tpu.vector_load_idx %arg5[%gather3A_217, %iota3A] : memref<100x16xf32, #tpu.memory_space<vmem>>[vector<16xi32>, vector<16xi32>], vector<16xf32>,
      %mul3A_219 = arith.constant 2 : i32
      %mul3A_220 = arith.muli %add3A_172, %mul3A_219 : i32
      %add3A_221 = arith.constant 16 : i32
      %add3A_222 = arith.addi %add3A_221, %mul3A_220 : i32
      %add3A_223 = arith.constant 0 : i32
      %add3A_224 = arith.addi %add3A_222, %add3A_223 : i32
      %swap3A_225 = arith.constant 2 : i32
      %swap3A_226 = arith.index_cast %add3A_224 : i32 to index
      %swap3A_227 = arith.index_cast %swap3A_225 : i32 to index
      %swap3A_228 = arith.constant 0 : index
      %swap3A_229 = tpu.vector_load %arg7[%swap3A_226, %swap3A_227, %swap3A_228] {strides = array<i32>} : memref<64x8x16xf32, #tpu.memory_space<vmem>>, vector<16xf32>,
      tpu.vector_store %arg7[%swap3A_226, %swap3A_227, %swap3A_228], %gather3A_218 {strides = array<i32>} : memref<64x8x16xf32, #tpu.memory_space<vmem>>, vector<16xf32>,
      %mul3A_230 = arith.constant 16 : i32
      %mul3A_231 = arith.muli %add3A_172, %mul3A_230 : i32
      %add3A_232 = arith.constant 128 : i32
      %add3A_233 = arith.addi %add3A_232, %mul3A_231 : i32
      %add3A_234 = arith.constant 3 : i32
      %add3A_235 = arith.addi %add3A_233, %add3A_234 : i32
      %broadcast_in_dim3A_236 = vector.broadcast %add3A_235 : i32 to vector<16xi32>
      %gather3A_237 = tpu.vector_load_idx %arg6[%broadcast_in_dim3A_236] : memref<512xi32, #tpu.memory_space<vmem>>[vector<16xi32>], vector<16xi32>,
      %gather3A_238 = tpu.vector_load_idx %arg5[%gather3A_237, %iota3A] : memref<100x16xf32, #tpu.memory_space<vmem>>[vector<16xi32>, vector<16xi32>], vector<16xf32>,
      %mul3A_239 = arith.constant 2 : i32
      %mul3A_240 = arith.muli %add3A_172, %mul3A_239 : i32
      %add3A_241 = arith.constant 16 : i32
      %add3A_242 = arith.addi %add3A_241, %mul3A_240 : i32
      %add3A_243 = arith.constant 0 : i32
      %add3A_244 = arith.addi %add3A_242, %add3A_243 : i32
      %swap3A_245 = arith.constant 3 : i32
      %swap3A_246 = arith.index_cast %add3A_244 : i32 to index
      %swap3A_247 = arith.index_cast %swap3A_245 : i32 to index
      %swap3A_248 = arith.constant 0 : index
      %swap3A_249 = tpu.vector_load %arg7[%swap3A_246, %swap3A_247, %swap3A_248] {strides = array<i32>} : memref<64x8x16xf32, #tpu.memory_space<vmem>>, vector<16xf32>,
      tpu.vector_store %arg7[%swap3A_246, %swap3A_247, %swap3A_248], %gather3A_238 {strides = array<i32>} : memref<64x8x16xf32, #tpu.memory_space<vmem>>, vector<16xf32>,
      %mul3A_250 = arith.constant 16 : i32
      %mul3A_251 = arith.muli %add3A_172, %mul3A_250 : i32
      %add3A_252 = arith.constant 128 : i32
      %add3A_253 = arith.addi %add3A_252, %mul3A_251 : i32
      %add3A_254 = arith.constant 4 : i32
      %add3A_255 = arith.addi %add3A_253, %add3A_254 : i32
      %broadcast_in_dim3A_256 = vector.broadcast %add3A_255 : i32 to vector<16xi32>
      %gather3A_257 = tpu.vector_load_idx %arg6[%broadcast_in_dim3A_256] : memref<512xi32, #tpu.memory_space<vmem>>[vector<16xi32>], vector<16xi32>,
      %gather3A_258 = tpu.vector_load_idx %arg5[%gather3A_257, %iota3A] : memref<100x16xf32, #tpu.memory_space<vmem>>[vector<16xi32>, vector<16xi32>], vector<16xf32>,
      %mul3A_259 = arith.constant 2 : i32
      %mul3A_260 = arith.muli %add3A_172, %mul3A_259 : i32
      %add3A_261 = arith.constant 16 : i32
      %add3A_262 = arith.addi %add3A_261, %mul3A_260 : i32
      %add3A_263 = arith.constant 0 : i32
      %add3A_264 = arith.addi %add3A_262, %add3A_263 : i32
      %swap3A_265 = arith.constant 4 : i32
      %swap3A_266 = arith.index_cast %add3A_264 : i32 to index
      %swap3A_267 = arith.index_cast %swap3A_265 : i32 to index
      %swap3A_268 = arith.constant 0 : index
      %swap3A_269 = tpu.vector_load %arg7[%swap3A_266, %swap3A_267, %swap3A_268] {strides = array<i32>} : memref<64x8x16xf32, #tpu.memory_space<vmem>>, vector<16xf32>,
      tpu.vector_store %arg7[%swap3A_266, %swap3A_267, %swap3A_268], %gather3A_258 {strides = array<i32>} : memref<64x8x16xf32, #tpu.memory_space<vmem>>, vector<16xf32>,
      %mul3A_270 = arith.constant 16 : i32
      %mul3A_271 = arith.muli %add3A_172, %mul3A_270 : i32
      %add3A_272 = arith.constant 128 : i32
      %add3A_273 = arith.addi %add3A_272, %mul3A_271 : i32
      %add3A_274 = arith.constant 5 : i32
      %add3A_275 = arith.addi %add3A_273, %add3A_274 : i32
      %broadcast_in_dim3A_276 = vector.broadcast %add3A_275 : i32 to vector<16xi32>
      %gather3A_277 = tpu.vector_load_idx %arg6[%broadcast_in_dim3A_276] : memref<512xi32, #tpu.memory_space<vmem>>[vector<16xi32>], vector<16xi32>,
      %gather3A_278 = tpu.vector_load_idx %arg5[%gather3A_277, %iota3A] : memref<100x16xf32, #tpu.memory_space<vmem>>[vector<16xi32>, vector<16xi32>], vector<16xf32>,
      %mul3A_279 = arith.constant 2 : i32
      %mul3A_280 = arith.muli %add3A_172, %mul3A_279 : i32
      %add3A_281 = arith.constant 16 : i32
      %add3A_282 = arith.addi %add3A_281, %mul3A_280 : i32
      %add3A_283 = arith.constant 0 : i32
      %add3A_284 = arith.addi %add3A_282, %add3A_283 : i32
      %swap3A_285 = arith.constant 5 : i32
      %swap3A_286 = arith.index_cast %add3A_284 : i32 to index
      %swap3A_287 = arith.index_cast %swap3A_285 : i32 to index
      %swap3A_288 = arith.constant 0 : index
      %swap3A_289 = tpu.vector_load %arg7[%swap3A_286, %swap3A_287, %swap3A_288] {strides = array<i32>} : memref<64x8x16xf32, #tpu.memory_space<vmem>>, vector<16xf32>,
      tpu.vector_store %arg7[%swap3A_286, %swap3A_287, %swap3A_288], %gather3A_278 {strides = array<i32>} : memref<64x8x16xf32, #tpu.memory_space<vmem>>, vector<16xf32>,
      %mul3A_290 = arith.constant 16 : i32
      %mul3A_291 = arith.muli %add3A_172, %mul3A_290 : i32
      %add3A_292 = arith.constant 128 : i32
      %add3A_293 = arith.addi %add3A_292, %mul3A_291 : i32
      %add3A_294 = arith.constant 6 : i32
      %add3A_295 = arith.addi %add3A_293, %add3A_294 : i32
      %broadcast_in_dim3A_296 = vector.broadcast %add3A_295 : i32 to vector<16xi32>
      %gather3A_297 = tpu.vector_load_idx %arg6[%broadcast_in_dim3A_296] : memref<512xi32, #tpu.memory_space<vmem>>[vector<16xi32>], vector<16xi32>,
      %gather3A_298 = tpu.vector_load_idx %arg5[%gather3A_297, %iota3A] : memref<100x16xf32, #tpu.memory_space<vmem>>[vector<16xi32>, vector<16xi32>], vector<16xf32>,
      %mul3A_299 = arith.constant 2 : i32
      %mul3A_300 = arith.muli %add3A_172, %mul3A_299 : i32
      %add3A_301 = arith.constant 16 : i32
      %add3A_302 = arith.addi %add3A_301, %mul3A_300 : i32
      %add3A_303 = arith.constant 0 : i32
      %add3A_304 = arith.addi %add3A_302, %add3A_303 : i32
      %swap3A_305 = arith.constant 6 : i32
      %swap3A_306 = arith.index_cast %add3A_304 : i32 to index
      %swap3A_307 = arith.index_cast %swap3A_305 : i32 to index
      %swap3A_308 = arith.constant 0 : index
      %swap3A_309 = tpu.vector_load %arg7[%swap3A_306, %swap3A_307, %swap3A_308] {strides = array<i32>} : memref<64x8x16xf32, #tpu.memory_space<vmem>>, vector<16xf32>,
      tpu.vector_store %arg7[%swap3A_306, %swap3A_307, %swap3A_308], %gather3A_298 {strides = array<i32>} : memref<64x8x16xf32, #tpu.memory_space<vmem>>, vector<16xf32>,
      %mul3A_310 = arith.constant 16 : i32
      %mul3A_311 = arith.muli %add3A_172, %mul3A_310 : i32
      %add3A_312 = arith.constant 128 : i32
      %add3A_313 = arith.addi %add3A_312, %mul3A_311 : i32
      %add3A_314 = arith.constant 7 : i32
      %add3A_315 = arith.addi %add3A_313, %add3A_314 : i32
      %broadcast_in_dim3A_316 = vector.broadcast %add3A_315 : i32 to vector<16xi32>
      %gather3A_317 = tpu.vector_load_idx %arg6[%broadcast_in_dim3A_316] : memref<512xi32, #tpu.memory_space<vmem>>[vector<16xi32>], vector<16xi32>,
      %gather3A_318 = tpu.vector_load_idx %arg5[%gather3A_317, %iota3A] : memref<100x16xf32, #tpu.memory_space<vmem>>[vector<16xi32>, vector<16xi32>], vector<16xf32>,
      %mul3A_319 = arith.constant 2 : i32
      %mul3A_320 = arith.muli %add3A_172, %mul3A_319 : i32
      %add3A_321 = arith.constant 16 : i32
      %add3A_322 = arith.addi %add3A_321, %mul3A_320 : i32
      %add3A_323 = arith.constant 0 : i32
      %add3A_324 = arith.addi %add3A_322, %add3A_323 : i32
      %swap3A_325 = arith.constant 7 : i32
      %swap3A_326 = arith.index_cast %add3A_324 : i32 to index
      %swap3A_327 = arith.index_cast %swap3A_325 : i32 to index
      %swap3A_328 = arith.constant 0 : index
      %swap3A_329 = tpu.vector_load %arg7[%swap3A_326, %swap3A_327, %swap3A_328] {strides = array<i32>} : memref<64x8x16xf32, #tpu.memory_space<vmem>>, vector<16xf32>,
      tpu.vector_store %arg7[%swap3A_326, %swap3A_327, %swap3A_328], %gather3A_318 {strides = array<i32>} : memref<64x8x16xf32, #tpu.memory_space<vmem>>, vector<16xf32>,
      %mul3A_330 = arith.constant 16 : i32
      %mul3A_331 = arith.muli %add3A_172, %mul3A_330 : i32
      %add3A_332 = arith.constant 128 : i32
      %add3A_333 = arith.addi %add3A_332, %mul3A_331 : i32
      %add3A_334 = arith.constant 8 : i32
      %add3A_335 = arith.addi %add3A_333, %add3A_334 : i32
      %broadcast_in_dim3A_336 = vector.broadcast %add3A_335 : i32 to vector<16xi32>
      %gather3A_337 = tpu.vector_load_idx %arg6[%broadcast_in_dim3A_336] : memref<512xi32, #tpu.memory_space<vmem>>[vector<16xi32>], vector<16xi32>,
      %gather3A_338 = tpu.vector_load_idx %arg5[%gather3A_337, %iota3A] : memref<100x16xf32, #tpu.memory_space<vmem>>[vector<16xi32>, vector<16xi32>], vector<16xf32>,
      %mul3A_339 = arith.constant 2 : i32
      %mul3A_340 = arith.muli %add3A_172, %mul3A_339 : i32
      %add3A_341 = arith.constant 16 : i32
      %add3A_342 = arith.addi %add3A_341, %mul3A_340 : i32
      %add3A_343 = arith.constant 1 : i32
      %add3A_344 = arith.addi %add3A_342, %add3A_343 : i32
      %swap3A_345 = arith.constant 0 : i32
      %swap3A_346 = arith.index_cast %add3A_344 : i32 to index
      %swap3A_347 = arith.index_cast %swap3A_345 : i32 to index
      %swap3A_348 = arith.constant 0 : index
      %swap3A_349 = tpu.vector_load %arg7[%swap3A_346, %swap3A_347, %swap3A_348] {strides = array<i32>} : memref<64x8x16xf32, #tpu.memory_space<vmem>>, vector<16xf32>,
      tpu.vector_store %arg7[%swap3A_346, %swap3A_347, %swap3A_348], %gather3A_338 {strides = array<i32>} : memref<64x8x16xf32, #tpu.memory_space<vmem>>, vector<16xf32>,
      %mul3A_350 = arith.constant 16 : i32
      %mul3A_351 = arith.muli %add3A_172, %mul3A_350 : i32
      %add3A_352 = arith.constant 128 : i32
      %add3A_353 = arith.addi %add3A_352, %mul3A_351 : i32
      %add3A_354 = arith.constant 9 : i32
      %add3A_355 = arith.addi %add3A_353, %add3A_354 : i32
      %broadcast_in_dim3A_356 = vector.broadcast %add3A_355 : i32 to vector<16xi32>
      %gather3A_357 = tpu.vector_load_idx %arg6[%broadcast_in_dim3A_356] : memref<512xi32, #tpu.memory_space<vmem>>[vector<16xi32>], vector<16xi32>,
      %gather3A_358 = tpu.vector_load_idx %arg5[%gather3A_357, %iota3A] : memref<100x16xf32, #tpu.memory_space<vmem>>[vector<16xi32>, vector<16xi32>], vector<16xf32>,
      %mul3A_359 = arith.constant 2 : i32
      %mul3A_360 = arith.muli %add3A_172, %mul3A_359 : i32
      %add3A_361 = arith.constant 16 : i32
      %add3A_362 = arith.addi %add3A_361, %mul3A_360 : i32
      %add3A_363 = arith.constant 1 : i32
      %add3A_364 = arith.addi %add3A_362, %add3A_363 : i32
      %swap3A_365 = arith.constant 1 : i32
      %swap3A_366 = arith.index_cast %add3A_364 : i32 to index
      %swap3A_367 = arith.index_cast %swap3A_365 : i32 to index
      %swap3A_368 = arith.constant 0 : index
      %swap3A_369 = tpu.vector_load %arg7[%swap3A_366, %swap3A_367, %swap3A_368] {strides = array<i32>} : memref<64x8x16xf32, #tpu.memory_space<vmem>>, vector<16xf32>,
      tpu.vector_store %arg7[%swap3A_366, %swap3A_367, %swap3A_368], %gather3A_358 {strides = array<i32>} : memref<64x8x16xf32, #tpu.memory_space<vmem>>, vector<16xf32>,
      %mul3A_370 = arith.constant 16 : i32
      %mul3A_371 = arith.muli %add3A_172, %mul3A_370 : i32
      %add3A_372 = arith.constant 128 : i32
      %add3A_373 = arith.addi %add3A_372, %mul3A_371 : i32
      %add3A_374 = arith.constant 10 : i32
      %add3A_375 = arith.addi %add3A_373, %add3A_374 : i32
      %broadcast_in_dim3A_376 = vector.broadcast %add3A_375 : i32 to vector<16xi32>
      %gather3A_377 = tpu.vector_load_idx %arg6[%broadcast_in_dim3A_376] : memref<512xi32, #tpu.memory_space<vmem>>[vector<16xi32>], vector<16xi32>,
      %gather3A_378 = tpu.vector_load_idx %arg5[%gather3A_377, %iota3A] : memref<100x16xf32, #tpu.memory_space<vmem>>[vector<16xi32>, vector<16xi32>], vector<16xf32>,
      %mul3A_379 = arith.constant 2 : i32
      %mul3A_380 = arith.muli %add3A_172, %mul3A_379 : i32
      %add3A_381 = arith.constant 16 : i32
      %add3A_382 = arith.addi %add3A_381, %mul3A_380 : i32
      %add3A_383 = arith.constant 1 : i32
      %add3A_384 = arith.addi %add3A_382, %add3A_383 : i32
      %swap3A_385 = arith.constant 2 : i32
      %swap3A_386 = arith.index_cast %add3A_384 : i32 to index
      %swap3A_387 = arith.index_cast %swap3A_385 : i32 to index
      %swap3A_388 = arith.constant 0 : index
      %swap3A_389 = tpu.vector_load %arg7[%swap3A_386, %swap3A_387, %swap3A_388] {strides = array<i32>} : memref<64x8x16xf32, #tpu.memory_space<vmem>>, vector<16xf32>,
      tpu.vector_store %arg7[%swap3A_386, %swap3A_387, %swap3A_388], %gather3A_378 {strides = array<i32>} : memref<64x8x16xf32, #tpu.memory_space<vmem>>, vector<16xf32>,
      %mul3A_390 = arith.constant 16 : i32
      %mul3A_391 = arith.muli %add3A_172, %mul3A_390 : i32
      %add3A_392 = arith.constant 128 : i32
      %add3A_393 = arith.addi %add3A_392, %mul3A_391 : i32
      %add3A_394 = arith.constant 11 : i32
      %add3A_395 = arith.addi %add3A_393, %add3A_394 : i32
      %broadcast_in_dim3A_396 = vector.broadcast %add3A_395 : i32 to vector<16xi32>
      %gather3A_397 = tpu.vector_load_idx %arg6[%broadcast_in_dim3A_396] : memref<512xi32, #tpu.memory_space<vmem>>[vector<16xi32>], vector<16xi32>,
      %gather3A_398 = tpu.vector_load_idx %arg5[%gather3A_397, %iota3A] : memref<100x16xf32, #tpu.memory_space<vmem>>[vector<16xi32>, vector<16xi32>], vector<16xf32>,
      %mul3A_399 = arith.constant 2 : i32
      %mul3A_400 = arith.muli %add3A_172, %mul3A_399 : i32
      %add3A_401 = arith.constant 16 : i32
      %add3A_402 = arith.addi %add3A_401, %mul3A_400 : i32
      %add3A_403 = arith.constant 1 : i32
      %add3A_404 = arith.addi %add3A_402, %add3A_403 : i32
      %swap3A_405 = arith.constant 3 : i32
      %swap3A_406 = arith.index_cast %add3A_404 : i32 to index
      %swap3A_407 = arith.index_cast %swap3A_405 : i32 to index
      %swap3A_408 = arith.constant 0 : index
      %swap3A_409 = tpu.vector_load %arg7[%swap3A_406, %swap3A_407, %swap3A_408] {strides = array<i32>} : memref<64x8x16xf32, #tpu.memory_space<vmem>>, vector<16xf32>,
      tpu.vector_store %arg7[%swap3A_406, %swap3A_407, %swap3A_408], %gather3A_398 {strides = array<i32>} : memref<64x8x16xf32, #tpu.memory_space<vmem>>, vector<16xf32>,
      %mul3A_410 = arith.constant 16 : i32
      %mul3A_411 = arith.muli %add3A_172, %mul3A_410 : i32
      %add3A_412 = arith.constant 128 : i32
      %add3A_413 = arith.addi %add3A_412, %mul3A_411 : i32
      %add3A_414 = arith.constant 12 : i32
      %add3A_415 = arith.addi %add3A_413, %add3A_414 : i32
      %broadcast_in_dim3A_416 = vector.broadcast %add3A_415 : i32 to vector<16xi32>
      %gather3A_417 = tpu.vector_load_idx %arg6[%broadcast_in_dim3A_416] : memref<512xi32, #tpu.memory_space<vmem>>[vector<16xi32>], vector<16xi32>,
      %gather3A_418 = tpu.vector_load_idx %arg5[%gather3A_417, %iota3A] : memref<100x16xf32, #tpu.memory_space<vmem>>[vector<16xi32>, vector<16xi32>], vector<16xf32>,
      %mul3A_419 = arith.constant 2 : i32
      %mul3A_420 = arith.muli %add3A_172, %mul3A_419 : i32
      %add3A_421 = arith.constant 16 : i32
      %add3A_422 = arith.addi %add3A_421, %mul3A_420 : i32
      %add3A_423 = arith.constant 1 : i32
      %add3A_424 = arith.addi %add3A_422, %add3A_423 : i32
      %swap3A_425 = arith.constant 4 : i32
      %swap3A_426 = arith.index_cast %add3A_424 : i32 to index
      %swap3A_427 = arith.index_cast %swap3A_425 : i32 to index
      %swap3A_428 = arith.constant 0 : index
      %swap3A_429 = tpu.vector_load %arg7[%swap3A_426, %swap3A_427, %swap3A_428] {strides = array<i32>} : memref<64x8x16xf32, #tpu.memory_space<vmem>>, vector<16xf32>,
      tpu.vector_store %arg7[%swap3A_426, %swap3A_427, %swap3A_428], %gather3A_418 {strides = array<i32>} : memref<64x8x16xf32, #tpu.memory_space<vmem>>, vector<16xf32>,
      %mul3A_430 = arith.constant 16 : i32
      %mul3A_431 = arith.muli %add3A_172, %mul3A_430 : i32
      %add3A_432 = arith.constant 128 : i32
      %add3A_433 = arith.addi %add3A_432, %mul3A_431 : i32
      %add3A_434 = arith.constant 13 : i32
      %add3A_435 = arith.addi %add3A_433, %add3A_434 : i32
      %broadcast_in_dim3A_436 = vector.broadcast %add3A_435 : i32 to vector<16xi32>
      %gather3A_437 = tpu.vector_load_idx %arg6[%broadcast_in_dim3A_436] : memref<512xi32, #tpu.memory_space<vmem>>[vector<16xi32>], vector<16xi32>,
      %gather3A_438 = tpu.vector_load_idx %arg5[%gather3A_437, %iota3A] : memref<100x16xf32, #tpu.memory_space<vmem>>[vector<16xi32>, vector<16xi32>], vector<16xf32>,
      %mul3A_439 = arith.constant 2 : i32
      %mul3A_440 = arith.muli %add3A_172, %mul3A_439 : i32
      %add3A_441 = arith.constant 16 : i32
      %add3A_442 = arith.addi %add3A_441, %mul3A_440 : i32
      %add3A_443 = arith.constant 1 : i32
      %add3A_444 = arith.addi %add3A_442, %add3A_443 : i32
      %swap3A_445 = arith.constant 5 : i32
      %swap3A_446 = arith.index_cast %add3A_444 : i32 to index
      %swap3A_447 = arith.index_cast %swap3A_445 : i32 to index
      %swap3A_448 = arith.constant 0 : index
      %swap3A_449 = tpu.vector_load %arg7[%swap3A_446, %swap3A_447, %swap3A_448] {strides = array<i32>} : memref<64x8x16xf32, #tpu.memory_space<vmem>>, vector<16xf32>,
      tpu.vector_store %arg7[%swap3A_446, %swap3A_447, %swap3A_448], %gather3A_438 {strides = array<i32>} : memref<64x8x16xf32, #tpu.memory_space<vmem>>, vector<16xf32>,
      %mul3A_450 = arith.constant 16 : i32
      %mul3A_451 = arith.muli %add3A_172, %mul3A_450 : i32
      %add3A_452 = arith.constant 128 : i32
      %add3A_453 = arith.addi %add3A_452, %mul3A_451 : i32
      %add3A_454 = arith.constant 14 : i32
      %add3A_455 = arith.addi %add3A_453, %add3A_454 : i32
      %broadcast_in_dim3A_456 = vector.broadcast %add3A_455 : i32 to vector<16xi32>
      %gather3A_457 = tpu.vector_load_idx %arg6[%broadcast_in_dim3A_456] : memref<512xi32, #tpu.memory_space<vmem>>[vector<16xi32>], vector<16xi32>,
      %gather3A_458 = tpu.vector_load_idx %arg5[%gather3A_457, %iota3A] : memref<100x16xf32, #tpu.memory_space<vmem>>[vector<16xi32>, vector<16xi32>], vector<16xf32>,
      %mul3A_459 = arith.constant 2 : i32
      %mul3A_460 = arith.muli %add3A_172, %mul3A_459 : i32
      %add3A_461 = arith.constant 16 : i32
      %add3A_462 = arith.addi %add3A_461, %mul3A_460 : i32
      %add3A_463 = arith.constant 1 : i32
      %add3A_464 = arith.addi %add3A_462, %add3A_463 : i32
      %swap3A_465 = arith.constant 6 : i32
      %swap3A_466 = arith.index_cast %add3A_464 : i32 to index
      %swap3A_467 = arith.index_cast %swap3A_465 : i32 to index
      %swap3A_468 = arith.constant 0 : index
      %swap3A_469 = tpu.vector_load %arg7[%swap3A_466, %swap3A_467, %swap3A_468] {strides = array<i32>} : memref<64x8x16xf32, #tpu.memory_space<vmem>>, vector<16xf32>,
      tpu.vector_store %arg7[%swap3A_466, %swap3A_467, %swap3A_468], %gather3A_458 {strides = array<i32>} : memref<64x8x16xf32, #tpu.memory_space<vmem>>, vector<16xf32>,
      %mul3A_470 = arith.constant 16 : i32
      %mul3A_471 = arith.muli %add3A_172, %mul3A_470 : i32
      %add3A_472 = arith.constant 128 : i32
      %add3A_473 = arith.addi %add3A_472, %mul3A_471 : i32
      %add3A_474 = arith.constant 15 : i32
      %add3A_475 = arith.addi %add3A_473, %add3A_474 : i32
      %broadcast_in_dim3A_476 = vector.broadcast %add3A_475 : i32 to vector<16xi32>
      %gather3A_477 = tpu.vector_load_idx %arg6[%broadcast_in_dim3A_476] : memref<512xi32, #tpu.memory_space<vmem>>[vector<16xi32>], vector<16xi32>,
      %gather3A_478 = tpu.vector_load_idx %arg5[%gather3A_477, %iota3A] : memref<100x16xf32, #tpu.memory_space<vmem>>[vector<16xi32>, vector<16xi32>], vector<16xf32>,
      %mul3A_479 = arith.constant 2 : i32
      %mul3A_480 = arith.muli %add3A_172, %mul3A_479 : i32
      %add3A_481 = arith.constant 16 : i32
      %add3A_482 = arith.addi %add3A_481, %mul3A_480 : i32
      %add3A_483 = arith.constant 1 : i32
      %add3A_484 = arith.addi %add3A_482, %add3A_483 : i32
      %swap3A_485 = arith.constant 7 : i32
      %swap3A_486 = arith.index_cast %add3A_484 : i32 to index
      %swap3A_487 = arith.index_cast %swap3A_485 : i32 to index
      %swap3A_488 = arith.constant 0 : index
      %swap3A_489 = tpu.vector_load %arg7[%swap3A_486, %swap3A_487, %swap3A_488] {strides = array<i32>} : memref<64x8x16xf32, #tpu.memory_space<vmem>>, vector<16xf32>,
      tpu.vector_store %arg7[%swap3A_486, %swap3A_487, %swap3A_488], %gather3A_478 {strides = array<i32>} : memref<64x8x16xf32, #tpu.memory_space<vmem>>, vector<16xf32>,
    }
    %scan3A_33 = arith.constant 8 : i32
    %mul3A_34 = arith.constant 64 : i32
    %mul3A_35 = arith.muli %add3A, %mul3A_34 : i32
    %add3A_36 = arith.constant 16 : i32
    %add3A_37 = arith.addi %mul3A_35, %add3A_36 : i32
    %dma_start3A_38 = arith.constant 16 : i32
    %dma_start3A_39 = arith.constant 0 : i32
    %dma_start3A_40 = arith.constant 0 : i32
    %dma_start3A_41 = tpu.memref_slice %arg7[%dma_start3A_38, %dma_start3A_39, %dma_start3A_40] : memref<64x8x16xf32, #tpu.memory_space<vmem>> -> memref<16x8x16xf32, #tpu.memory_space<vmem>>
    %dma_start3A_42 = tpu.memref_reshape %arg4 : memref<16384x16xf32, #tpu.memory_space<hbm>> -> memref<2048x8x16xf32, #tpu.memory_space<hbm>>
    %dma_start3A_43 = arith.constant 0 : i32
    %dma_start3A_44 = arith.constant 0 : i32
    %dma_start3A_45 = tpu.memref_slice %dma_start3A_42[%add3A_37, %dma_start3A_43, %dma_start3A_44] : memref<2048x8x16xf32, #tpu.memory_space<hbm>> -> memref<16x8x16xf32, #tpu.memory_space<hbm>>
    %dma_start3A_46 = tpu.memref_reshape %arg4 : memref<16384x16xf32, #tpu.memory_space<hbm>> -> memref<2048x8x16xf32, #tpu.memory_space<hbm>>
    %dma_start3A_47 = arith.constant 0 : i32
    %dma_start3A_48 = arith.constant 0 : i32
    %dma_start3A_49 = tpu.memref_slice %dma_start3A_46[%add3A_37, %dma_start3A_47, %dma_start3A_48] : memref<2048x8x16xf32, #tpu.memory_space<hbm>> -> memref<16x8x16xf32, #tpu.memory_space<hbm>>
    %dma_start3A_50 = arith.constant 16 : i32
    %dma_start3A_51 = arith.constant 0 : i32
    %dma_start3A_52 = arith.constant 0 : i32
    %dma_start3A_53 = tpu.memref_slice %arg7[%dma_start3A_50, %dma_start3A_51, %dma_start3A_52] : memref<64x8x16xf32, #tpu.memory_space<vmem>> -> memref<16x8x16xf32, #tpu.memory_space<vmem>>
    tpu.enqueue_dma source(%dma_start3A_53 : memref<16x8x16xf32, #tpu.memory_space<vmem>>) target(%dma_start3A_49 : memref<16x8x16xf32, #tpu.memory_space<hbm>>) target_semaphore(%arg10 : memref<!tpu.dma_semaphore, #tpu.memory_space<semaphore_mem>>)
    %scan3A_54 = arith.constant 0 : i32
    %scan3A_55 = arith.constant 8 : i32
    %scan3A_56 = arith.addi %scan3A_54, %scan3A_55 : i32
    %scan3A_57 = arith.constant 1 : i32
    scf.for %scan3A_168 = %scan3A_54 to %scan3A_56 step %scan3A_57  : i32 {
      %mul3A_169 = arith.constant 1 : i32
      %mul3A_170 = arith.muli %scan3A_168, %mul3A_169 : i32
      %add3A_171 = arith.constant 0 : i32
      %add3A_172 = arith.addi %add3A_171, %mul3A_170 : i32
      %mul3A_173 = arith.constant 16 : i32
      %mul3A_174 = arith.muli %add3A_172, %mul3A_173 : i32
      %add3A_175 = arith.constant 256 : i32
      %add3A_176 = arith.addi %add3A_175, %mul3A_174 : i32
      %add3A_177 = arith.constant 0 : i32
      %add3A_178 = arith.addi %add3A_176, %add3A_177 : i32
      %broadcast_in_dim3A = vector.broadcast %add3A_178 : i32 to vector<16xi32>
      %gather3A = tpu.vector_load_idx %arg6[%broadcast_in_dim3A] : memref<512xi32, #tpu.memory_space<vmem>>[vector<16xi32>], vector<16xi32>,
      %gather3A_179 = tpu.vector_load_idx %arg5[%gather3A, %iota3A] : memref<100x16xf32, #tpu.memory_space<vmem>>[vector<16xi32>, vector<16xi32>], vector<16xf32>,
      %mul3A_180 = arith.constant 2 : i32
      %mul3A_181 = arith.muli %add3A_172, %mul3A_180 : i32
      %add3A_182 = arith.constant 32 : i32
      %add3A_183 = arith.addi %add3A_182, %mul3A_181 : i32
      %add3A_184 = arith.constant 0 : i32
      %add3A_185 = arith.addi %add3A_183, %add3A_184 : i32
      %swap3A = arith.constant 0 : i32
      %swap3A_186 = arith.index_cast %add3A_185 : i32 to index
      %swap3A_187 = arith.index_cast %swap3A : i32 to index
      %swap3A_188 = arith.constant 0 : index
      %swap3A_189 = tpu.vector_load %arg7[%swap3A_186, %swap3A_187, %swap3A_188] {strides = array<i32>} : memref<64x8x16xf32, #tpu.memory_space<vmem>>, vector<16xf32>,
      tpu.vector_store %arg7[%swap3A_186, %swap3A_187, %swap3A_188], %gather3A_179 {strides = array<i32>} : memref<64x8x16xf32, #tpu.memory_space<vmem>>, vector<16xf32>,
      %mul3A_190 = arith.constant 16 : i32
      %mul3A_191 = arith.muli %add3A_172, %mul3A_190 : i32
      %add3A_192 = arith.constant 256 : i32
      %add3A_193 = arith.addi %add3A_192, %mul3A_191 : i32
      %add3A_194 = arith.constant 1 : i32
      %add3A_195 = arith.addi %add3A_193, %add3A_194 : i32
      %broadcast_in_dim3A_196 = vector.broadcast %add3A_195 : i32 to vector<16xi32>
      %gather3A_197 = tpu.vector_load_idx %arg6[%broadcast_in_dim3A_196] : memref<512xi32, #tpu.memory_space<vmem>>[vector<16xi32>], vector<16xi32>,
      %gather3A_198 = tpu.vector_load_idx %arg5[%gather3A_197, %iota3A] : memref<100x16xf32, #tpu.memory_space<vmem>>[vector<16xi32>, vector<16xi32>], vector<16xf32>,
      %mul3A_199 = arith.constant 2 : i32
      %mul3A_200 = arith.muli %add3A_172, %mul3A_199 : i32
      %add3A_201 = arith.constant 32 : i32
      %add3A_202 = arith.addi %add3A_201, %mul3A_200 : i32
      %add3A_203 = arith.constant 0 : i32
      %add3A_204 = arith.addi %add3A_202, %add3A_203 : i32
      %swap3A_205 = arith.constant 1 : i32
      %swap3A_206 = arith.index_cast %add3A_204 : i32 to index
      %swap3A_207 = arith.index_cast %swap3A_205 : i32 to index
      %swap3A_208 = arith.constant 0 : index
      %swap3A_209 = tpu.vector_load %arg7[%swap3A_206, %swap3A_207, %swap3A_208] {strides = array<i32>} : memref<64x8x16xf32, #tpu.memory_space<vmem>>, vector<16xf32>,
      tpu.vector_store %arg7[%swap3A_206, %swap3A_207, %swap3A_208], %gather3A_198 {strides = array<i32>} : memref<64x8x16xf32, #tpu.memory_space<vmem>>, vector<16xf32>,
      %mul3A_210 = arith.constant 16 : i32
      %mul3A_211 = arith.muli %add3A_172, %mul3A_210 : i32
      %add3A_212 = arith.constant 256 : i32
      %add3A_213 = arith.addi %add3A_212, %mul3A_211 : i32
      %add3A_214 = arith.constant 2 : i32
      %add3A_215 = arith.addi %add3A_213, %add3A_214 : i32
      %broadcast_in_dim3A_216 = vector.broadcast %add3A_215 : i32 to vector<16xi32>
      %gather3A_217 = tpu.vector_load_idx %arg6[%broadcast_in_dim3A_216] : memref<512xi32, #tpu.memory_space<vmem>>[vector<16xi32>], vector<16xi32>,
      %gather3A_218 = tpu.vector_load_idx %arg5[%gather3A_217, %iota3A] : memref<100x16xf32, #tpu.memory_space<vmem>>[vector<16xi32>, vector<16xi32>], vector<16xf32>,
      %mul3A_219 = arith.constant 2 : i32
      %mul3A_220 = arith.muli %add3A_172, %mul3A_219 : i32
      %add3A_221 = arith.constant 32 : i32
      %add3A_222 = arith.addi %add3A_221, %mul3A_220 : i32
      %add3A_223 = arith.constant 0 : i32
      %add3A_224 = arith.addi %add3A_222, %add3A_223 : i32
      %swap3A_225 = arith.constant 2 : i32
      %swap3A_226 = arith.index_cast %add3A_224 : i32 to index
      %swap3A_227 = arith.index_cast %swap3A_225 : i32 to index
      %swap3A_228 = arith.constant 0 : index
      %swap3A_229 = tpu.vector_load %arg7[%swap3A_226, %swap3A_227, %swap3A_228] {strides = array<i32>} : memref<64x8x16xf32, #tpu.memory_space<vmem>>, vector<16xf32>,
      tpu.vector_store %arg7[%swap3A_226, %swap3A_227, %swap3A_228], %gather3A_218 {strides = array<i32>} : memref<64x8x16xf32, #tpu.memory_space<vmem>>, vector<16xf32>,
      %mul3A_230 = arith.constant 16 : i32
      %mul3A_231 = arith.muli %add3A_172, %mul3A_230 : i32
      %add3A_232 = arith.constant 256 : i32
      %add3A_233 = arith.addi %add3A_232, %mul3A_231 : i32
      %add3A_234 = arith.constant 3 : i32
      %add3A_235 = arith.addi %add3A_233, %add3A_234 : i32
      %broadcast_in_dim3A_236 = vector.broadcast %add3A_235 : i32 to vector<16xi32>
      %gather3A_237 = tpu.vector_load_idx %arg6[%broadcast_in_dim3A_236] : memref<512xi32, #tpu.memory_space<vmem>>[vector<16xi32>], vector<16xi32>,
      %gather3A_238 = tpu.vector_load_idx %arg5[%gather3A_237, %iota3A] : memref<100x16xf32, #tpu.memory_space<vmem>>[vector<16xi32>, vector<16xi32>], vector<16xf32>,
      %mul3A_239 = arith.constant 2 : i32
      %mul3A_240 = arith.muli %add3A_172, %mul3A_239 : i32
      %add3A_241 = arith.constant 32 : i32
      %add3A_242 = arith.addi %add3A_241, %mul3A_240 : i32
      %add3A_243 = arith.constant 0 : i32
      %add3A_244 = arith.addi %add3A_242, %add3A_243 : i32
      %swap3A_245 = arith.constant 3 : i32
      %swap3A_246 = arith.index_cast %add3A_244 : i32 to index
      %swap3A_247 = arith.index_cast %swap3A_245 : i32 to index
      %swap3A_248 = arith.constant 0 : index
      %swap3A_249 = tpu.vector_load %arg7[%swap3A_246, %swap3A_247, %swap3A_248] {strides = array<i32>} : memref<64x8x16xf32, #tpu.memory_space<vmem>>, vector<16xf32>,
      tpu.vector_store %arg7[%swap3A_246, %swap3A_247, %swap3A_248], %gather3A_238 {strides = array<i32>} : memref<64x8x16xf32, #tpu.memory_space<vmem>>, vector<16xf32>,
      %mul3A_250 = arith.constant 16 : i32
      %mul3A_251 = arith.muli %add3A_172, %mul3A_250 : i32
      %add3A_252 = arith.constant 256 : i32
      %add3A_253 = arith.addi %add3A_252, %mul3A_251 : i32
      %add3A_254 = arith.constant 4 : i32
      %add3A_255 = arith.addi %add3A_253, %add3A_254 : i32
      %broadcast_in_dim3A_256 = vector.broadcast %add3A_255 : i32 to vector<16xi32>
      %gather3A_257 = tpu.vector_load_idx %arg6[%broadcast_in_dim3A_256] : memref<512xi32, #tpu.memory_space<vmem>>[vector<16xi32>], vector<16xi32>,
      %gather3A_258 = tpu.vector_load_idx %arg5[%gather3A_257, %iota3A] : memref<100x16xf32, #tpu.memory_space<vmem>>[vector<16xi32>, vector<16xi32>], vector<16xf32>,
      %mul3A_259 = arith.constant 2 : i32
      %mul3A_260 = arith.muli %add3A_172, %mul3A_259 : i32
      %add3A_261 = arith.constant 32 : i32
      %add3A_262 = arith.addi %add3A_261, %mul3A_260 : i32
      %add3A_263 = arith.constant 0 : i32
      %add3A_264 = arith.addi %add3A_262, %add3A_263 : i32
      %swap3A_265 = arith.constant 4 : i32
      %swap3A_266 = arith.index_cast %add3A_264 : i32 to index
      %swap3A_267 = arith.index_cast %swap3A_265 : i32 to index
      %swap3A_268 = arith.constant 0 : index
      %swap3A_269 = tpu.vector_load %arg7[%swap3A_266, %swap3A_267, %swap3A_268] {strides = array<i32>} : memref<64x8x16xf32, #tpu.memory_space<vmem>>, vector<16xf32>,
      tpu.vector_store %arg7[%swap3A_266, %swap3A_267, %swap3A_268], %gather3A_258 {strides = array<i32>} : memref<64x8x16xf32, #tpu.memory_space<vmem>>, vector<16xf32>,
      %mul3A_270 = arith.constant 16 : i32
      %mul3A_271 = arith.muli %add3A_172, %mul3A_270 : i32
      %add3A_272 = arith.constant 256 : i32
      %add3A_273 = arith.addi %add3A_272, %mul3A_271 : i32
      %add3A_274 = arith.constant 5 : i32
      %add3A_275 = arith.addi %add3A_273, %add3A_274 : i32
      %broadcast_in_dim3A_276 = vector.broadcast %add3A_275 : i32 to vector<16xi32>
      %gather3A_277 = tpu.vector_load_idx %arg6[%broadcast_in_dim3A_276] : memref<512xi32, #tpu.memory_space<vmem>>[vector<16xi32>], vector<16xi32>,
      %gather3A_278 = tpu.vector_load_idx %arg5[%gather3A_277, %iota3A] : memref<100x16xf32, #tpu.memory_space<vmem>>[vector<16xi32>, vector<16xi32>], vector<16xf32>,
      %mul3A_279 = arith.constant 2 : i32
      %mul3A_280 = arith.muli %add3A_172, %mul3A_279 : i32
      %add3A_281 = arith.constant 32 : i32
      %add3A_282 = arith.addi %add3A_281, %mul3A_280 : i32
      %add3A_283 = arith.constant 0 : i32
      %add3A_284 = arith.addi %add3A_282, %add3A_283 : i32
      %swap3A_285 = arith.constant 5 : i32
      %swap3A_286 = arith.index_cast %add3A_284 : i32 to index
      %swap3A_287 = arith.index_cast %swap3A_285 : i32 to index
      %swap3A_288 = arith.constant 0 : index
      %swap3A_289 = tpu.vector_load %arg7[%swap3A_286, %swap3A_287, %swap3A_288] {strides = array<i32>} : memref<64x8x16xf32, #tpu.memory_space<vmem>>, vector<16xf32>,
      tpu.vector_store %arg7[%swap3A_286, %swap3A_287, %swap3A_288], %gather3A_278 {strides = array<i32>} : memref<64x8x16xf32, #tpu.memory_space<vmem>>, vector<16xf32>,
      %mul3A_290 = arith.constant 16 : i32
      %mul3A_291 = arith.muli %add3A_172, %mul3A_290 : i32
      %add3A_292 = arith.constant 256 : i32
      %add3A_293 = arith.addi %add3A_292, %mul3A_291 : i32
      %add3A_294 = arith.constant 6 : i32
      %add3A_295 = arith.addi %add3A_293, %add3A_294 : i32
      %broadcast_in_dim3A_296 = vector.broadcast %add3A_295 : i32 to vector<16xi32>
      %gather3A_297 = tpu.vector_load_idx %arg6[%broadcast_in_dim3A_296] : memref<512xi32, #tpu.memory_space<vmem>>[vector<16xi32>], vector<16xi32>,
      %gather3A_298 = tpu.vector_load_idx %arg5[%gather3A_297, %iota3A] : memref<100x16xf32, #tpu.memory_space<vmem>>[vector<16xi32>, vector<16xi32>], vector<16xf32>,
      %mul3A_299 = arith.constant 2 : i32
      %mul3A_300 = arith.muli %add3A_172, %mul3A_299 : i32
      %add3A_301 = arith.constant 32 : i32
      %add3A_302 = arith.addi %add3A_301, %mul3A_300 : i32
      %add3A_303 = arith.constant 0 : i32
      %add3A_304 = arith.addi %add3A_302, %add3A_303 : i32
      %swap3A_305 = arith.constant 6 : i32
      %swap3A_306 = arith.index_cast %add3A_304 : i32 to index
      %swap3A_307 = arith.index_cast %swap3A_305 : i32 to index
      %swap3A_308 = arith.constant 0 : index
      %swap3A_309 = tpu.vector_load %arg7[%swap3A_306, %swap3A_307, %swap3A_308] {strides = array<i32>} : memref<64x8x16xf32, #tpu.memory_space<vmem>>, vector<16xf32>,
      tpu.vector_store %arg7[%swap3A_306, %swap3A_307, %swap3A_308], %gather3A_298 {strides = array<i32>} : memref<64x8x16xf32, #tpu.memory_space<vmem>>, vector<16xf32>,
      %mul3A_310 = arith.constant 16 : i32
      %mul3A_311 = arith.muli %add3A_172, %mul3A_310 : i32
      %add3A_312 = arith.constant 256 : i32
      %add3A_313 = arith.addi %add3A_312, %mul3A_311 : i32
      %add3A_314 = arith.constant 7 : i32
      %add3A_315 = arith.addi %add3A_313, %add3A_314 : i32
      %broadcast_in_dim3A_316 = vector.broadcast %add3A_315 : i32 to vector<16xi32>
      %gather3A_317 = tpu.vector_load_idx %arg6[%broadcast_in_dim3A_316] : memref<512xi32, #tpu.memory_space<vmem>>[vector<16xi32>], vector<16xi32>,
      %gather3A_318 = tpu.vector_load_idx %arg5[%gather3A_317, %iota3A] : memref<100x16xf32, #tpu.memory_space<vmem>>[vector<16xi32>, vector<16xi32>], vector<16xf32>,
      %mul3A_319 = arith.constant 2 : i32
      %mul3A_320 = arith.muli %add3A_172, %mul3A_319 : i32
      %add3A_321 = arith.constant 32 : i32
      %add3A_322 = arith.addi %add3A_321, %mul3A_320 : i32
      %add3A_323 = arith.constant 0 : i32
      %add3A_324 = arith.addi %add3A_322, %add3A_323 : i32
      %swap3A_325 = arith.constant 7 : i32
      %swap3A_326 = arith.index_cast %add3A_324 : i32 to index
      %swap3A_327 = arith.index_cast %swap3A_325 : i32 to index
      %swap3A_328 = arith.constant 0 : index
      %swap3A_329 = tpu.vector_load %arg7[%swap3A_326, %swap3A_327, %swap3A_328] {strides = array<i32>} : memref<64x8x16xf32, #tpu.memory_space<vmem>>, vector<16xf32>,
      tpu.vector_store %arg7[%swap3A_326, %swap3A_327, %swap3A_328], %gather3A_318 {strides = array<i32>} : memref<64x8x16xf32, #tpu.memory_space<vmem>>, vector<16xf32>,
      %mul3A_330 = arith.constant 16 : i32
      %mul3A_331 = arith.muli %add3A_172, %mul3A_330 : i32
      %add3A_332 = arith.constant 256 : i32
      %add3A_333 = arith.addi %add3A_332, %mul3A_331 : i32
      %add3A_334 = arith.constant 8 : i32
      %add3A_335 = arith.addi %add3A_333, %add3A_334 : i32
      %broadcast_in_dim3A_336 = vector.broadcast %add3A_335 : i32 to vector<16xi32>
      %gather3A_337 = tpu.vector_load_idx %arg6[%broadcast_in_dim3A_336] : memref<512xi32, #tpu.memory_space<vmem>>[vector<16xi32>], vector<16xi32>,
      %gather3A_338 = tpu.vector_load_idx %arg5[%gather3A_337, %iota3A] : memref<100x16xf32, #tpu.memory_space<vmem>>[vector<16xi32>, vector<16xi32>], vector<16xf32>,
      %mul3A_339 = arith.constant 2 : i32
      %mul3A_340 = arith.muli %add3A_172, %mul3A_339 : i32
      %add3A_341 = arith.constant 32 : i32
      %add3A_342 = arith.addi %add3A_341, %mul3A_340 : i32
      %add3A_343 = arith.constant 1 : i32
      %add3A_344 = arith.addi %add3A_342, %add3A_343 : i32
      %swap3A_345 = arith.constant 0 : i32
      %swap3A_346 = arith.index_cast %add3A_344 : i32 to index
      %swap3A_347 = arith.index_cast %swap3A_345 : i32 to index
      %swap3A_348 = arith.constant 0 : index
      %swap3A_349 = tpu.vector_load %arg7[%swap3A_346, %swap3A_347, %swap3A_348] {strides = array<i32>} : memref<64x8x16xf32, #tpu.memory_space<vmem>>, vector<16xf32>,
      tpu.vector_store %arg7[%swap3A_346, %swap3A_347, %swap3A_348], %gather3A_338 {strides = array<i32>} : memref<64x8x16xf32, #tpu.memory_space<vmem>>, vector<16xf32>,
      %mul3A_350 = arith.constant 16 : i32
      %mul3A_351 = arith.muli %add3A_172, %mul3A_350 : i32
      %add3A_352 = arith.constant 256 : i32
      %add3A_353 = arith.addi %add3A_352, %mul3A_351 : i32
      %add3A_354 = arith.constant 9 : i32
      %add3A_355 = arith.addi %add3A_353, %add3A_354 : i32
      %broadcast_in_dim3A_356 = vector.broadcast %add3A_355 : i32 to vector<16xi32>
      %gather3A_357 = tpu.vector_load_idx %arg6[%broadcast_in_dim3A_356] : memref<512xi32, #tpu.memory_space<vmem>>[vector<16xi32>], vector<16xi32>,
      %gather3A_358 = tpu.vector_load_idx %arg5[%gather3A_357, %iota3A] : memref<100x16xf32, #tpu.memory_space<vmem>>[vector<16xi32>, vector<16xi32>], vector<16xf32>,
      %mul3A_359 = arith.constant 2 : i32
      %mul3A_360 = arith.muli %add3A_172, %mul3A_359 : i32
      %add3A_361 = arith.constant 32 : i32
      %add3A_362 = arith.addi %add3A_361, %mul3A_360 : i32
      %add3A_363 = arith.constant 1 : i32
      %add3A_364 = arith.addi %add3A_362, %add3A_363 : i32
      %swap3A_365 = arith.constant 1 : i32
      %swap3A_366 = arith.index_cast %add3A_364 : i32 to index
      %swap3A_367 = arith.index_cast %swap3A_365 : i32 to index
      %swap3A_368 = arith.constant 0 : index
      %swap3A_369 = tpu.vector_load %arg7[%swap3A_366, %swap3A_367, %swap3A_368] {strides = array<i32>} : memref<64x8x16xf32, #tpu.memory_space<vmem>>, vector<16xf32>,
      tpu.vector_store %arg7[%swap3A_366, %swap3A_367, %swap3A_368], %gather3A_358 {strides = array<i32>} : memref<64x8x16xf32, #tpu.memory_space<vmem>>, vector<16xf32>,
      %mul3A_370 = arith.constant 16 : i32
      %mul3A_371 = arith.muli %add3A_172, %mul3A_370 : i32
      %add3A_372 = arith.constant 256 : i32
      %add3A_373 = arith.addi %add3A_372, %mul3A_371 : i32
      %add3A_374 = arith.constant 10 : i32
      %add3A_375 = arith.addi %add3A_373, %add3A_374 : i32
      %broadcast_in_dim3A_376 = vector.broadcast %add3A_375 : i32 to vector<16xi32>
      %gather3A_377 = tpu.vector_load_idx %arg6[%broadcast_in_dim3A_376] : memref<512xi32, #tpu.memory_space<vmem>>[vector<16xi32>], vector<16xi32>,
      %gather3A_378 = tpu.vector_load_idx %arg5[%gather3A_377, %iota3A] : memref<100x16xf32, #tpu.memory_space<vmem>>[vector<16xi32>, vector<16xi32>], vector<16xf32>,
      %mul3A_379 = arith.constant 2 : i32
      %mul3A_380 = arith.muli %add3A_172, %mul3A_379 : i32
      %add3A_381 = arith.constant 32 : i32
      %add3A_382 = arith.addi %add3A_381, %mul3A_380 : i32
      %add3A_383 = arith.constant 1 : i32
      %add3A_384 = arith.addi %add3A_382, %add3A_383 : i32
      %swap3A_385 = arith.constant 2 : i32
      %swap3A_386 = arith.index_cast %add3A_384 : i32 to index
      %swap3A_387 = arith.index_cast %swap3A_385 : i32 to index
      %swap3A_388 = arith.constant 0 : index
      %swap3A_389 = tpu.vector_load %arg7[%swap3A_386, %swap3A_387, %swap3A_388] {strides = array<i32>} : memref<64x8x16xf32, #tpu.memory_space<vmem>>, vector<16xf32>,
      tpu.vector_store %arg7[%swap3A_386, %swap3A_387, %swap3A_388], %gather3A_378 {strides = array<i32>} : memref<64x8x16xf32, #tpu.memory_space<vmem>>, vector<16xf32>,
      %mul3A_390 = arith.constant 16 : i32
      %mul3A_391 = arith.muli %add3A_172, %mul3A_390 : i32
      %add3A_392 = arith.constant 256 : i32
      %add3A_393 = arith.addi %add3A_392, %mul3A_391 : i32
      %add3A_394 = arith.constant 11 : i32
      %add3A_395 = arith.addi %add3A_393, %add3A_394 : i32
      %broadcast_in_dim3A_396 = vector.broadcast %add3A_395 : i32 to vector<16xi32>
      %gather3A_397 = tpu.vector_load_idx %arg6[%broadcast_in_dim3A_396] : memref<512xi32, #tpu.memory_space<vmem>>[vector<16xi32>], vector<16xi32>,
      %gather3A_398 = tpu.vector_load_idx %arg5[%gather3A_397, %iota3A] : memref<100x16xf32, #tpu.memory_space<vmem>>[vector<16xi32>, vector<16xi32>], vector<16xf32>,
      %mul3A_399 = arith.constant 2 : i32
      %mul3A_400 = arith.muli %add3A_172, %mul3A_399 : i32
      %add3A_401 = arith.constant 32 : i32
      %add3A_402 = arith.addi %add3A_401, %mul3A_400 : i32
      %add3A_403 = arith.constant 1 : i32
      %add3A_404 = arith.addi %add3A_402, %add3A_403 : i32
      %swap3A_405 = arith.constant 3 : i32
      %swap3A_406 = arith.index_cast %add3A_404 : i32 to index
      %swap3A_407 = arith.index_cast %swap3A_405 : i32 to index
      %swap3A_408 = arith.constant 0 : index
      %swap3A_409 = tpu.vector_load %arg7[%swap3A_406, %swap3A_407, %swap3A_408] {strides = array<i32>} : memref<64x8x16xf32, #tpu.memory_space<vmem>>, vector<16xf32>,
      tpu.vector_store %arg7[%swap3A_406, %swap3A_407, %swap3A_408], %gather3A_398 {strides = array<i32>} : memref<64x8x16xf32, #tpu.memory_space<vmem>>, vector<16xf32>,
      %mul3A_410 = arith.constant 16 : i32
      %mul3A_411 = arith.muli %add3A_172, %mul3A_410 : i32
      %add3A_412 = arith.constant 256 : i32
      %add3A_413 = arith.addi %add3A_412, %mul3A_411 : i32
      %add3A_414 = arith.constant 12 : i32
      %add3A_415 = arith.addi %add3A_413, %add3A_414 : i32
      %broadcast_in_dim3A_416 = vector.broadcast %add3A_415 : i32 to vector<16xi32>
      %gather3A_417 = tpu.vector_load_idx %arg6[%broadcast_in_dim3A_416] : memref<512xi32, #tpu.memory_space<vmem>>[vector<16xi32>], vector<16xi32>,
      %gather3A_418 = tpu.vector_load_idx %arg5[%gather3A_417, %iota3A] : memref<100x16xf32, #tpu.memory_space<vmem>>[vector<16xi32>, vector<16xi32>], vector<16xf32>,
      %mul3A_419 = arith.constant 2 : i32
      %mul3A_420 = arith.muli %add3A_172, %mul3A_419 : i32
      %add3A_421 = arith.constant 32 : i32
      %add3A_422 = arith.addi %add3A_421, %mul3A_420 : i32
      %add3A_423 = arith.constant 1 : i32
      %add3A_424 = arith.addi %add3A_422, %add3A_423 : i32
      %swap3A_425 = arith.constant 4 : i32
      %swap3A_426 = arith.index_cast %add3A_424 : i32 to index
      %swap3A_427 = arith.index_cast %swap3A_425 : i32 to index
      %swap3A_428 = arith.constant 0 : index
      %swap3A_429 = tpu.vector_load %arg7[%swap3A_426, %swap3A_427, %swap3A_428] {strides = array<i32>} : memref<64x8x16xf32, #tpu.memory_space<vmem>>, vector<16xf32>,
      tpu.vector_store %arg7[%swap3A_426, %swap3A_427, %swap3A_428], %gather3A_418 {strides = array<i32>} : memref<64x8x16xf32, #tpu.memory_space<vmem>>, vector<16xf32>,
      %mul3A_430 = arith.constant 16 : i32
      %mul3A_431 = arith.muli %add3A_172, %mul3A_430 : i32
      %add3A_432 = arith.constant 256 : i32
      %add3A_433 = arith.addi %add3A_432, %mul3A_431 : i32
      %add3A_434 = arith.constant 13 : i32
      %add3A_435 = arith.addi %add3A_433, %add3A_434 : i32
      %broadcast_in_dim3A_436 = vector.broadcast %add3A_435 : i32 to vector<16xi32>
      %gather3A_437 = tpu.vector_load_idx %arg6[%broadcast_in_dim3A_436] : memref<512xi32, #tpu.memory_space<vmem>>[vector<16xi32>], vector<16xi32>,
      %gather3A_438 = tpu.vector_load_idx %arg5[%gather3A_437, %iota3A] : memref<100x16xf32, #tpu.memory_space<vmem>>[vector<16xi32>, vector<16xi32>], vector<16xf32>,
      %mul3A_439 = arith.constant 2 : i32
      %mul3A_440 = arith.muli %add3A_172, %mul3A_439 : i32
      %add3A_441 = arith.constant 32 : i32
      %add3A_442 = arith.addi %add3A_441, %mul3A_440 : i32
      %add3A_443 = arith.constant 1 : i32
      %add3A_444 = arith.addi %add3A_442, %add3A_443 : i32
      %swap3A_445 = arith.constant 5 : i32
      %swap3A_446 = arith.index_cast %add3A_444 : i32 to index
      %swap3A_447 = arith.index_cast %swap3A_445 : i32 to index
      %swap3A_448 = arith.constant 0 : index
      %swap3A_449 = tpu.vector_load %arg7[%swap3A_446, %swap3A_447, %swap3A_448] {strides = array<i32>} : memref<64x8x16xf32, #tpu.memory_space<vmem>>, vector<16xf32>,
      tpu.vector_store %arg7[%swap3A_446, %swap3A_447, %swap3A_448], %gather3A_438 {strides = array<i32>} : memref<64x8x16xf32, #tpu.memory_space<vmem>>, vector<16xf32>,
      %mul3A_450 = arith.constant 16 : i32
      %mul3A_451 = arith.muli %add3A_172, %mul3A_450 : i32
      %add3A_452 = arith.constant 256 : i32
      %add3A_453 = arith.addi %add3A_452, %mul3A_451 : i32
      %add3A_454 = arith.constant 14 : i32
      %add3A_455 = arith.addi %add3A_453, %add3A_454 : i32
      %broadcast_in_dim3A_456 = vector.broadcast %add3A_455 : i32 to vector<16xi32>
      %gather3A_457 = tpu.vector_load_idx %arg6[%broadcast_in_dim3A_456] : memref<512xi32, #tpu.memory_space<vmem>>[vector<16xi32>], vector<16xi32>,
      %gather3A_458 = tpu.vector_load_idx %arg5[%gather3A_457, %iota3A] : memref<100x16xf32, #tpu.memory_space<vmem>>[vector<16xi32>, vector<16xi32>], vector<16xf32>,
      %mul3A_459 = arith.constant 2 : i32
      %mul3A_460 = arith.muli %add3A_172, %mul3A_459 : i32
      %add3A_461 = arith.constant 32 : i32
      %add3A_462 = arith.addi %add3A_461, %mul3A_460 : i32
      %add3A_463 = arith.constant 1 : i32
      %add3A_464 = arith.addi %add3A_462, %add3A_463 : i32
      %swap3A_465 = arith.constant 6 : i32
      %swap3A_466 = arith.index_cast %add3A_464 : i32 to index
      %swap3A_467 = arith.index_cast %swap3A_465 : i32 to index
      %swap3A_468 = arith.constant 0 : index
      %swap3A_469 = tpu.vector_load %arg7[%swap3A_466, %swap3A_467, %swap3A_468] {strides = array<i32>} : memref<64x8x16xf32, #tpu.memory_space<vmem>>, vector<16xf32>,
      tpu.vector_store %arg7[%swap3A_466, %swap3A_467, %swap3A_468], %gather3A_458 {strides = array<i32>} : memref<64x8x16xf32, #tpu.memory_space<vmem>>, vector<16xf32>,
      %mul3A_470 = arith.constant 16 : i32
      %mul3A_471 = arith.muli %add3A_172, %mul3A_470 : i32
      %add3A_472 = arith.constant 256 : i32
      %add3A_473 = arith.addi %add3A_472, %mul3A_471 : i32
      %add3A_474 = arith.constant 15 : i32
      %add3A_475 = arith.addi %add3A_473, %add3A_474 : i32
      %broadcast_in_dim3A_476 = vector.broadcast %add3A_475 : i32 to vector<16xi32>
      %gather3A_477 = tpu.vector_load_idx %arg6[%broadcast_in_dim3A_476] : memref<512xi32, #tpu.memory_space<vmem>>[vector<16xi32>], vector<16xi32>,
      %gather3A_478 = tpu.vector_load_idx %arg5[%gather3A_477, %iota3A] : memref<100x16xf32, #tpu.memory_space<vmem>>[vector<16xi32>, vector<16xi32>], vector<16xf32>,
      %mul3A_479 = arith.constant 2 : i32
      %mul3A_480 = arith.muli %add3A_172, %mul3A_479 : i32
      %add3A_481 = arith.constant 32 : i32
      %add3A_482 = arith.addi %add3A_481, %mul3A_480 : i32
      %add3A_483 = arith.constant 1 : i32
      %add3A_484 = arith.addi %add3A_482, %add3A_483 : i32
      %swap3A_485 = arith.constant 7 : i32
      %swap3A_486 = arith.index_cast %add3A_484 : i32 to index
      %swap3A_487 = arith.index_cast %swap3A_485 : i32 to index
      %swap3A_488 = arith.constant 0 : index
      %swap3A_489 = tpu.vector_load %arg7[%swap3A_486, %swap3A_487, %swap3A_488] {strides = array<i32>} : memref<64x8x16xf32, #tpu.memory_space<vmem>>, vector<16xf32>,
      tpu.vector_store %arg7[%swap3A_486, %swap3A_487, %swap3A_488], %gather3A_478 {strides = array<i32>} : memref<64x8x16xf32, #tpu.memory_space<vmem>>, vector<16xf32>,
    }
    %scan3A_58 = arith.constant 8 : i32
    %mul3A_59 = arith.constant 64 : i32
    %mul3A_60 = arith.muli %add3A, %mul3A_59 : i32
    %add3A_61 = arith.constant 32 : i32
    %add3A_62 = arith.addi %mul3A_60, %add3A_61 : i32
    %dma_start3A_63 = arith.constant 32 : i32
    %dma_start3A_64 = arith.constant 0 : i32
    %dma_start3A_65 = arith.constant 0 : i32
    %dma_start3A_66 = tpu.memref_slice %arg7[%dma_start3A_63, %dma_start3A_64, %dma_start3A_65] : memref<64x8x16xf32, #tpu.memory_space<vmem>> -> memref<16x8x16xf32, #tpu.memory_space<vmem>>
    %dma_start3A_67 = tpu.memref_reshape %arg4 : memref<16384x16xf32, #tpu.memory_space<hbm>> -> memref<2048x8x16xf32, #tpu.memory_space<hbm>>
    %dma_start3A_68 = arith.constant 0 : i32
    %dma_start3A_69 = arith.constant 0 : i32
    %dma_start3A_70 = tpu.memref_slice %dma_start3A_67[%add3A_62, %dma_start3A_68, %dma_start3A_69] : memref<2048x8x16xf32, #tpu.memory_space<hbm>> -> memref<16x8x16xf32, #tpu.memory_space<hbm>>
    %dma_start3A_71 = tpu.memref_reshape %arg4 : memref<16384x16xf32, #tpu.memory_space<hbm>> -> memref<2048x8x16xf32, #tpu.memory_space<hbm>>
    %dma_start3A_72 = arith.constant 0 : i32
    %dma_start3A_73 = arith.constant 0 : i32
    %dma_start3A_74 = tpu.memref_slice %dma_start3A_71[%add3A_62, %dma_start3A_72, %dma_start3A_73] : memref<2048x8x16xf32, #tpu.memory_space<hbm>> -> memref<16x8x16xf32, #tpu.memory_space<hbm>>
    %dma_start3A_75 = arith.constant 32 : i32
    %dma_start3A_76 = arith.constant 0 : i32
    %dma_start3A_77 = arith.constant 0 : i32
    %dma_start3A_78 = tpu.memref_slice %arg7[%dma_start3A_75, %dma_start3A_76, %dma_start3A_77] : memref<64x8x16xf32, #tpu.memory_space<vmem>> -> memref<16x8x16xf32, #tpu.memory_space<vmem>>
    tpu.enqueue_dma source(%dma_start3A_78 : memref<16x8x16xf32, #tpu.memory_space<vmem>>) target(%dma_start3A_74 : memref<16x8x16xf32, #tpu.memory_space<hbm>>) target_semaphore(%arg10 : memref<!tpu.dma_semaphore, #tpu.memory_space<semaphore_mem>>)
    %scan3A_79 = arith.constant 0 : i32
    %scan3A_80 = arith.constant 8 : i32
    %scan3A_81 = arith.addi %scan3A_79, %scan3A_80 : i32
    %scan3A_82 = arith.constant 1 : i32
    scf.for %scan3A_168 = %scan3A_79 to %scan3A_81 step %scan3A_82  : i32 {
      %mul3A_169 = arith.constant 1 : i32
      %mul3A_170 = arith.muli %scan3A_168, %mul3A_169 : i32
      %add3A_171 = arith.constant 0 : i32
      %add3A_172 = arith.addi %add3A_171, %mul3A_170 : i32
      %mul3A_173 = arith.constant 16 : i32
      %mul3A_174 = arith.muli %add3A_172, %mul3A_173 : i32
      %add3A_175 = arith.constant 384 : i32
      %add3A_176 = arith.addi %add3A_175, %mul3A_174 : i32
      %add3A_177 = arith.constant 0 : i32
      %add3A_178 = arith.addi %add3A_176, %add3A_177 : i32
      %broadcast_in_dim3A = vector.broadcast %add3A_178 : i32 to vector<16xi32>
      %gather3A = tpu.vector_load_idx %arg6[%broadcast_in_dim3A] : memref<512xi32, #tpu.memory_space<vmem>>[vector<16xi32>], vector<16xi32>,
      %gather3A_179 = tpu.vector_load_idx %arg5[%gather3A, %iota3A] : memref<100x16xf32, #tpu.memory_space<vmem>>[vector<16xi32>, vector<16xi32>], vector<16xf32>,
      %mul3A_180 = arith.constant 2 : i32
      %mul3A_181 = arith.muli %add3A_172, %mul3A_180 : i32
      %add3A_182 = arith.constant 48 : i32
      %add3A_183 = arith.addi %add3A_182, %mul3A_181 : i32
      %add3A_184 = arith.constant 0 : i32
      %add3A_185 = arith.addi %add3A_183, %add3A_184 : i32
      %swap3A = arith.constant 0 : i32
      %swap3A_186 = arith.index_cast %add3A_185 : i32 to index
      %swap3A_187 = arith.index_cast %swap3A : i32 to index
      %swap3A_188 = arith.constant 0 : index
      %swap3A_189 = tpu.vector_load %arg7[%swap3A_186, %swap3A_187, %swap3A_188] {strides = array<i32>} : memref<64x8x16xf32, #tpu.memory_space<vmem>>, vector<16xf32>,
      tpu.vector_store %arg7[%swap3A_186, %swap3A_187, %swap3A_188], %gather3A_179 {strides = array<i32>} : memref<64x8x16xf32, #tpu.memory_space<vmem>>, vector<16xf32>,
      %mul3A_190 = arith.constant 16 : i32
      %mul3A_191 = arith.muli %add3A_172, %mul3A_190 : i32
      %add3A_192 = arith.constant 384 : i32
      %add3A_193 = arith.addi %add3A_192, %mul3A_191 : i32
      %add3A_194 = arith.constant 1 : i32
      %add3A_195 = arith.addi %add3A_193, %add3A_194 : i32
      %broadcast_in_dim3A_196 = vector.broadcast %add3A_195 : i32 to vector<16xi32>
      %gather3A_197 = tpu.vector_load_idx %arg6[%broadcast_in_dim3A_196] : memref<512xi32, #tpu.memory_space<vmem>>[vector<16xi32>], vector<16xi32>,
      %gather3A_198 = tpu.vector_load_idx %arg5[%gather3A_197, %iota3A] : memref<100x16xf32, #tpu.memory_space<vmem>>[vector<16xi32>, vector<16xi32>], vector<16xf32>,
      %mul3A_199 = arith.constant 2 : i32
      %mul3A_200 = arith.muli %add3A_172, %mul3A_199 : i32
      %add3A_201 = arith.constant 48 : i32
      %add3A_202 = arith.addi %add3A_201, %mul3A_200 : i32
      %add3A_203 = arith.constant 0 : i32
      %add3A_204 = arith.addi %add3A_202, %add3A_203 : i32
      %swap3A_205 = arith.constant 1 : i32
      %swap3A_206 = arith.index_cast %add3A_204 : i32 to index
      %swap3A_207 = arith.index_cast %swap3A_205 : i32 to index
      %swap3A_208 = arith.constant 0 : index
      %swap3A_209 = tpu.vector_load %arg7[%swap3A_206, %swap3A_207, %swap3A_208] {strides = array<i32>} : memref<64x8x16xf32, #tpu.memory_space<vmem>>, vector<16xf32>,
      tpu.vector_store %arg7[%swap3A_206, %swap3A_207, %swap3A_208], %gather3A_198 {strides = array<i32>} : memref<64x8x16xf32, #tpu.memory_space<vmem>>, vector<16xf32>,
      %mul3A_210 = arith.constant 16 : i32
      %mul3A_211 = arith.muli %add3A_172, %mul3A_210 : i32
      %add3A_212 = arith.constant 384 : i32
      %add3A_213 = arith.addi %add3A_212, %mul3A_211 : i32
      %add3A_214 = arith.constant 2 : i32
      %add3A_215 = arith.addi %add3A_213, %add3A_214 : i32
      %broadcast_in_dim3A_216 = vector.broadcast %add3A_215 : i32 to vector<16xi32>
      %gather3A_217 = tpu.vector_load_idx %arg6[%broadcast_in_dim3A_216] : memref<512xi32, #tpu.memory_space<vmem>>[vector<16xi32>], vector<16xi32>,
      %gather3A_218 = tpu.vector_load_idx %arg5[%gather3A_217, %iota3A] : memref<100x16xf32, #tpu.memory_space<vmem>>[vector<16xi32>, vector<16xi32>], vector<16xf32>,
      %mul3A_219 = arith.constant 2 : i32
      %mul3A_220 = arith.muli %add3A_172, %mul3A_219 : i32
      %add3A_221 = arith.constant 48 : i32
      %add3A_222 = arith.addi %add3A_221, %mul3A_220 : i32
      %add3A_223 = arith.constant 0 : i32
      %add3A_224 = arith.addi %add3A_222, %add3A_223 : i32
      %swap3A_225 = arith.constant 2 : i32
      %swap3A_226 = arith.index_cast %add3A_224 : i32 to index
      %swap3A_227 = arith.index_cast %swap3A_225 : i32 to index
      %swap3A_228 = arith.constant 0 : index
      %swap3A_229 = tpu.vector_load %arg7[%swap3A_226, %swap3A_227, %swap3A_228] {strides = array<i32>} : memref<64x8x16xf32, #tpu.memory_space<vmem>>, vector<16xf32>,
      tpu.vector_store %arg7[%swap3A_226, %swap3A_227, %swap3A_228], %gather3A_218 {strides = array<i32>} : memref<64x8x16xf32, #tpu.memory_space<vmem>>, vector<16xf32>,
      %mul3A_230 = arith.constant 16 : i32
      %mul3A_231 = arith.muli %add3A_172, %mul3A_230 : i32
      %add3A_232 = arith.constant 384 : i32
      %add3A_233 = arith.addi %add3A_232, %mul3A_231 : i32
      %add3A_234 = arith.constant 3 : i32
      %add3A_235 = arith.addi %add3A_233, %add3A_234 : i32
      %broadcast_in_dim3A_236 = vector.broadcast %add3A_235 : i32 to vector<16xi32>
      %gather3A_237 = tpu.vector_load_idx %arg6[%broadcast_in_dim3A_236] : memref<512xi32, #tpu.memory_space<vmem>>[vector<16xi32>], vector<16xi32>,
      %gather3A_238 = tpu.vector_load_idx %arg5[%gather3A_237, %iota3A] : memref<100x16xf32, #tpu.memory_space<vmem>>[vector<16xi32>, vector<16xi32>], vector<16xf32>,
      %mul3A_239 = arith.constant 2 : i32
      %mul3A_240 = arith.muli %add3A_172, %mul3A_239 : i32
      %add3A_241 = arith.constant 48 : i32
      %add3A_242 = arith.addi %add3A_241, %mul3A_240 : i32
      %add3A_243 = arith.constant 0 : i32
      %add3A_244 = arith.addi %add3A_242, %add3A_243 : i32
      %swap3A_245 = arith.constant 3 : i32
      %swap3A_246 = arith.index_cast %add3A_244 : i32 to index
      %swap3A_247 = arith.index_cast %swap3A_245 : i32 to index
      %swap3A_248 = arith.constant 0 : index
      %swap3A_249 = tpu.vector_load %arg7[%swap3A_246, %swap3A_247, %swap3A_248] {strides = array<i32>} : memref<64x8x16xf32, #tpu.memory_space<vmem>>, vector<16xf32>,
      tpu.vector_store %arg7[%swap3A_246, %swap3A_247, %swap3A_248], %gather3A_238 {strides = array<i32>} : memref<64x8x16xf32, #tpu.memory_space<vmem>>, vector<16xf32>,
      %mul3A_250 = arith.constant 16 : i32
      %mul3A_251 = arith.muli %add3A_172, %mul3A_250 : i32
      %add3A_252 = arith.constant 384 : i32
      %add3A_253 = arith.addi %add3A_252, %mul3A_251 : i32
      %add3A_254 = arith.constant 4 : i32
      %add3A_255 = arith.addi %add3A_253, %add3A_254 : i32
      %broadcast_in_dim3A_256 = vector.broadcast %add3A_255 : i32 to vector<16xi32>
      %gather3A_257 = tpu.vector_load_idx %arg6[%broadcast_in_dim3A_256] : memref<512xi32, #tpu.memory_space<vmem>>[vector<16xi32>], vector<16xi32>,
      %gather3A_258 = tpu.vector_load_idx %arg5[%gather3A_257, %iota3A] : memref<100x16xf32, #tpu.memory_space<vmem>>[vector<16xi32>, vector<16xi32>], vector<16xf32>,
      %mul3A_259 = arith.constant 2 : i32
      %mul3A_260 = arith.muli %add3A_172, %mul3A_259 : i32
      %add3A_261 = arith.constant 48 : i32
      %add3A_262 = arith.addi %add3A_261, %mul3A_260 : i32
      %add3A_263 = arith.constant 0 : i32
      %add3A_264 = arith.addi %add3A_262, %add3A_263 : i32
      %swap3A_265 = arith.constant 4 : i32
      %swap3A_266 = arith.index_cast %add3A_264 : i32 to index
      %swap3A_267 = arith.index_cast %swap3A_265 : i32 to index
      %swap3A_268 = arith.constant 0 : index
      %swap3A_269 = tpu.vector_load %arg7[%swap3A_266, %swap3A_267, %swap3A_268] {strides = array<i32>} : memref<64x8x16xf32, #tpu.memory_space<vmem>>, vector<16xf32>,
      tpu.vector_store %arg7[%swap3A_266, %swap3A_267, %swap3A_268], %gather3A_258 {strides = array<i32>} : memref<64x8x16xf32, #tpu.memory_space<vmem>>, vector<16xf32>,
      %mul3A_270 = arith.constant 16 : i32
      %mul3A_271 = arith.muli %add3A_172, %mul3A_270 : i32
      %add3A_272 = arith.constant 384 : i32
      %add3A_273 = arith.addi %add3A_272, %mul3A_271 : i32
      %add3A_274 = arith.constant 5 : i32
      %add3A_275 = arith.addi %add3A_273, %add3A_274 : i32
      %broadcast_in_dim3A_276 = vector.broadcast %add3A_275 : i32 to vector<16xi32>
      %gather3A_277 = tpu.vector_load_idx %arg6[%broadcast_in_dim3A_276] : memref<512xi32, #tpu.memory_space<vmem>>[vector<16xi32>], vector<16xi32>,
      %gather3A_278 = tpu.vector_load_idx %arg5[%gather3A_277, %iota3A] : memref<100x16xf32, #tpu.memory_space<vmem>>[vector<16xi32>, vector<16xi32>], vector<16xf32>,
      %mul3A_279 = arith.constant 2 : i32
      %mul3A_280 = arith.muli %add3A_172, %mul3A_279 : i32
      %add3A_281 = arith.constant 48 : i32
      %add3A_282 = arith.addi %add3A_281, %mul3A_280 : i32
      %add3A_283 = arith.constant 0 : i32
      %add3A_284 = arith.addi %add3A_282, %add3A_283 : i32
      %swap3A_285 = arith.constant 5 : i32
      %swap3A_286 = arith.index_cast %add3A_284 : i32 to index
      %swap3A_287 = arith.index_cast %swap3A_285 : i32 to index
      %swap3A_288 = arith.constant 0 : index
      %swap3A_289 = tpu.vector_load %arg7[%swap3A_286, %swap3A_287, %swap3A_288] {strides = array<i32>} : memref<64x8x16xf32, #tpu.memory_space<vmem>>, vector<16xf32>,
      tpu.vector_store %arg7[%swap3A_286, %swap3A_287, %swap3A_288], %gather3A_278 {strides = array<i32>} : memref<64x8x16xf32, #tpu.memory_space<vmem>>, vector<16xf32>,
      %mul3A_290 = arith.constant 16 : i32
      %mul3A_291 = arith.muli %add3A_172, %mul3A_290 : i32
      %add3A_292 = arith.constant 384 : i32
      %add3A_293 = arith.addi %add3A_292, %mul3A_291 : i32
      %add3A_294 = arith.constant 6 : i32
      %add3A_295 = arith.addi %add3A_293, %add3A_294 : i32
      %broadcast_in_dim3A_296 = vector.broadcast %add3A_295 : i32 to vector<16xi32>
      %gather3A_297 = tpu.vector_load_idx %arg6[%broadcast_in_dim3A_296] : memref<512xi32, #tpu.memory_space<vmem>>[vector<16xi32>], vector<16xi32>,
      %gather3A_298 = tpu.vector_load_idx %arg5[%gather3A_297, %iota3A] : memref<100x16xf32, #tpu.memory_space<vmem>>[vector<16xi32>, vector<16xi32>], vector<16xf32>,
      %mul3A_299 = arith.constant 2 : i32
      %mul3A_300 = arith.muli %add3A_172, %mul3A_299 : i32
      %add3A_301 = arith.constant 48 : i32
      %add3A_302 = arith.addi %add3A_301, %mul3A_300 : i32
      %add3A_303 = arith.constant 0 : i32
      %add3A_304 = arith.addi %add3A_302, %add3A_303 : i32
      %swap3A_305 = arith.constant 6 : i32
      %swap3A_306 = arith.index_cast %add3A_304 : i32 to index
      %swap3A_307 = arith.index_cast %swap3A_305 : i32 to index
      %swap3A_308 = arith.constant 0 : index
      %swap3A_309 = tpu.vector_load %arg7[%swap3A_306, %swap3A_307, %swap3A_308] {strides = array<i32>} : memref<64x8x16xf32, #tpu.memory_space<vmem>>, vector<16xf32>,
      tpu.vector_store %arg7[%swap3A_306, %swap3A_307, %swap3A_308], %gather3A_298 {strides = array<i32>} : memref<64x8x16xf32, #tpu.memory_space<vmem>>, vector<16xf32>,
      %mul3A_310 = arith.constant 16 : i32
      %mul3A_311 = arith.muli %add3A_172, %mul3A_310 : i32
      %add3A_312 = arith.constant 384 : i32
      %add3A_313 = arith.addi %add3A_312, %mul3A_311 : i32
      %add3A_314 = arith.constant 7 : i32
      %add3A_315 = arith.addi %add3A_313, %add3A_314 : i32
      %broadcast_in_dim3A_316 = vector.broadcast %add3A_315 : i32 to vector<16xi32>
      %gather3A_317 = tpu.vector_load_idx %arg6[%broadcast_in_dim3A_316] : memref<512xi32, #tpu.memory_space<vmem>>[vector<16xi32>], vector<16xi32>,
      %gather3A_318 = tpu.vector_load_idx %arg5[%gather3A_317, %iota3A] : memref<100x16xf32, #tpu.memory_space<vmem>>[vector<16xi32>, vector<16xi32>], vector<16xf32>,
      %mul3A_319 = arith.constant 2 : i32
      %mul3A_320 = arith.muli %add3A_172, %mul3A_319 : i32
      %add3A_321 = arith.constant 48 : i32
      %add3A_322 = arith.addi %add3A_321, %mul3A_320 : i32
      %add3A_323 = arith.constant 0 : i32
      %add3A_324 = arith.addi %add3A_322, %add3A_323 : i32
      %swap3A_325 = arith.constant 7 : i32
      %swap3A_326 = arith.index_cast %add3A_324 : i32 to index
      %swap3A_327 = arith.index_cast %swap3A_325 : i32 to index
      %swap3A_328 = arith.constant 0 : index
      %swap3A_329 = tpu.vector_load %arg7[%swap3A_326, %swap3A_327, %swap3A_328] {strides = array<i32>} : memref<64x8x16xf32, #tpu.memory_space<vmem>>, vector<16xf32>,
      tpu.vector_store %arg7[%swap3A_326, %swap3A_327, %swap3A_328], %gather3A_318 {strides = array<i32>} : memref<64x8x16xf32, #tpu.memory_space<vmem>>, vector<16xf32>,
      %mul3A_330 = arith.constant 16 : i32
      %mul3A_331 = arith.muli %add3A_172, %mul3A_330 : i32
      %add3A_332 = arith.constant 384 : i32
      %add3A_333 = arith.addi %add3A_332, %mul3A_331 : i32
      %add3A_334 = arith.constant 8 : i32
      %add3A_335 = arith.addi %add3A_333, %add3A_334 : i32
      %broadcast_in_dim3A_336 = vector.broadcast %add3A_335 : i32 to vector<16xi32>
      %gather3A_337 = tpu.vector_load_idx %arg6[%broadcast_in_dim3A_336] : memref<512xi32, #tpu.memory_space<vmem>>[vector<16xi32>], vector<16xi32>,
      %gather3A_338 = tpu.vector_load_idx %arg5[%gather3A_337, %iota3A] : memref<100x16xf32, #tpu.memory_space<vmem>>[vector<16xi32>, vector<16xi32>], vector<16xf32>,
      %mul3A_339 = arith.constant 2 : i32
      %mul3A_340 = arith.muli %add3A_172, %mul3A_339 : i32
      %add3A_341 = arith.constant 48 : i32
      %add3A_342 = arith.addi %add3A_341, %mul3A_340 : i32
      %add3A_343 = arith.constant 1 : i32
      %add3A_344 = arith.addi %add3A_342, %add3A_343 : i32
      %swap3A_345 = arith.constant 0 : i32
      %swap3A_346 = arith.index_cast %add3A_344 : i32 to index
      %swap3A_347 = arith.index_cast %swap3A_345 : i32 to index
      %swap3A_348 = arith.constant 0 : index
      %swap3A_349 = tpu.vector_load %arg7[%swap3A_346, %swap3A_347, %swap3A_348] {strides = array<i32>} : memref<64x8x16xf32, #tpu.memory_space<vmem>>, vector<16xf32>,
      tpu.vector_store %arg7[%swap3A_346, %swap3A_347, %swap3A_348], %gather3A_338 {strides = array<i32>} : memref<64x8x16xf32, #tpu.memory_space<vmem>>, vector<16xf32>,
      %mul3A_350 = arith.constant 16 : i32
      %mul3A_351 = arith.muli %add3A_172, %mul3A_350 : i32
      %add3A_352 = arith.constant 384 : i32
      %add3A_353 = arith.addi %add3A_352, %mul3A_351 : i32
      %add3A_354 = arith.constant 9 : i32
      %add3A_355 = arith.addi %add3A_353, %add3A_354 : i32
      %broadcast_in_dim3A_356 = vector.broadcast %add3A_355 : i32 to vector<16xi32>
      %gather3A_357 = tpu.vector_load_idx %arg6[%broadcast_in_dim3A_356] : memref<512xi32, #tpu.memory_space<vmem>>[vector<16xi32>], vector<16xi32>,
      %gather3A_358 = tpu.vector_load_idx %arg5[%gather3A_357, %iota3A] : memref<100x16xf32, #tpu.memory_space<vmem>>[vector<16xi32>, vector<16xi32>], vector<16xf32>,
      %mul3A_359 = arith.constant 2 : i32
      %mul3A_360 = arith.muli %add3A_172, %mul3A_359 : i32
      %add3A_361 = arith.constant 48 : i32
      %add3A_362 = arith.addi %add3A_361, %mul3A_360 : i32
      %add3A_363 = arith.constant 1 : i32
      %add3A_364 = arith.addi %add3A_362, %add3A_363 : i32
      %swap3A_365 = arith.constant 1 : i32
      %swap3A_366 = arith.index_cast %add3A_364 : i32 to index
      %swap3A_367 = arith.index_cast %swap3A_365 : i32 to index
      %swap3A_368 = arith.constant 0 : index
      %swap3A_369 = tpu.vector_load %arg7[%swap3A_366, %swap3A_367, %swap3A_368] {strides = array<i32>} : memref<64x8x16xf32, #tpu.memory_space<vmem>>, vector<16xf32>,
      tpu.vector_store %arg7[%swap3A_366, %swap3A_367, %swap3A_368], %gather3A_358 {strides = array<i32>} : memref<64x8x16xf32, #tpu.memory_space<vmem>>, vector<16xf32>,
      %mul3A_370 = arith.constant 16 : i32
      %mul3A_371 = arith.muli %add3A_172, %mul3A_370 : i32
      %add3A_372 = arith.constant 384 : i32
      %add3A_373 = arith.addi %add3A_372, %mul3A_371 : i32
      %add3A_374 = arith.constant 10 : i32
      %add3A_375 = arith.addi %add3A_373, %add3A_374 : i32
      %broadcast_in_dim3A_376 = vector.broadcast %add3A_375 : i32 to vector<16xi32>
      %gather3A_377 = tpu.vector_load_idx %arg6[%broadcast_in_dim3A_376] : memref<512xi32, #tpu.memory_space<vmem>>[vector<16xi32>], vector<16xi32>,
      %gather3A_378 = tpu.vector_load_idx %arg5[%gather3A_377, %iota3A] : memref<100x16xf32, #tpu.memory_space<vmem>>[vector<16xi32>, vector<16xi32>], vector<16xf32>,
      %mul3A_379 = arith.constant 2 : i32
      %mul3A_380 = arith.muli %add3A_172, %mul3A_379 : i32
      %add3A_381 = arith.constant 48 : i32
      %add3A_382 = arith.addi %add3A_381, %mul3A_380 : i32
      %add3A_383 = arith.constant 1 : i32
      %add3A_384 = arith.addi %add3A_382, %add3A_383 : i32
      %swap3A_385 = arith.constant 2 : i32
      %swap3A_386 = arith.index_cast %add3A_384 : i32 to index
      %swap3A_387 = arith.index_cast %swap3A_385 : i32 to index
      %swap3A_388 = arith.constant 0 : index
      %swap3A_389 = tpu.vector_load %arg7[%swap3A_386, %swap3A_387, %swap3A_388] {strides = array<i32>} : memref<64x8x16xf32, #tpu.memory_space<vmem>>, vector<16xf32>,
      tpu.vector_store %arg7[%swap3A_386, %swap3A_387, %swap3A_388], %gather3A_378 {strides = array<i32>} : memref<64x8x16xf32, #tpu.memory_space<vmem>>, vector<16xf32>,
      %mul3A_390 = arith.constant 16 : i32
      %mul3A_391 = arith.muli %add3A_172, %mul3A_390 : i32
      %add3A_392 = arith.constant 384 : i32
      %add3A_393 = arith.addi %add3A_392, %mul3A_391 : i32
      %add3A_394 = arith.constant 11 : i32
      %add3A_395 = arith.addi %add3A_393, %add3A_394 : i32
      %broadcast_in_dim3A_396 = vector.broadcast %add3A_395 : i32 to vector<16xi32>
      %gather3A_397 = tpu.vector_load_idx %arg6[%broadcast_in_dim3A_396] : memref<512xi32, #tpu.memory_space<vmem>>[vector<16xi32>], vector<16xi32>,
      %gather3A_398 = tpu.vector_load_idx %arg5[%gather3A_397, %iota3A] : memref<100x16xf32, #tpu.memory_space<vmem>>[vector<16xi32>, vector<16xi32>], vector<16xf32>,
      %mul3A_399 = arith.constant 2 : i32
      %mul3A_400 = arith.muli %add3A_172, %mul3A_399 : i32
      %add3A_401 = arith.constant 48 : i32
      %add3A_402 = arith.addi %add3A_401, %mul3A_400 : i32
      %add3A_403 = arith.constant 1 : i32
      %add3A_404 = arith.addi %add3A_402, %add3A_403 : i32
      %swap3A_405 = arith.constant 3 : i32
      %swap3A_406 = arith.index_cast %add3A_404 : i32 to index
      %swap3A_407 = arith.index_cast %swap3A_405 : i32 to index
      %swap3A_408 = arith.constant 0 : index
      %swap3A_409 = tpu.vector_load %arg7[%swap3A_406, %swap3A_407, %swap3A_408] {strides = array<i32>} : memref<64x8x16xf32, #tpu.memory_space<vmem>>, vector<16xf32>,
      tpu.vector_store %arg7[%swap3A_406, %swap3A_407, %swap3A_408], %gather3A_398 {strides = array<i32>} : memref<64x8x16xf32, #tpu.memory_space<vmem>>, vector<16xf32>,
      %mul3A_410 = arith.constant 16 : i32
      %mul3A_411 = arith.muli %add3A_172, %mul3A_410 : i32
      %add3A_412 = arith.constant 384 : i32
      %add3A_413 = arith.addi %add3A_412, %mul3A_411 : i32
      %add3A_414 = arith.constant 12 : i32
      %add3A_415 = arith.addi %add3A_413, %add3A_414 : i32
      %broadcast_in_dim3A_416 = vector.broadcast %add3A_415 : i32 to vector<16xi32>
      %gather3A_417 = tpu.vector_load_idx %arg6[%broadcast_in_dim3A_416] : memref<512xi32, #tpu.memory_space<vmem>>[vector<16xi32>], vector<16xi32>,
      %gather3A_418 = tpu.vector_load_idx %arg5[%gather3A_417, %iota3A] : memref<100x16xf32, #tpu.memory_space<vmem>>[vector<16xi32>, vector<16xi32>], vector<16xf32>,
      %mul3A_419 = arith.constant 2 : i32
      %mul3A_420 = arith.muli %add3A_172, %mul3A_419 : i32
      %add3A_421 = arith.constant 48 : i32
      %add3A_422 = arith.addi %add3A_421, %mul3A_420 : i32
      %add3A_423 = arith.constant 1 : i32
      %add3A_424 = arith.addi %add3A_422, %add3A_423 : i32
      %swap3A_425 = arith.constant 4 : i32
      %swap3A_426 = arith.index_cast %add3A_424 : i32 to index
      %swap3A_427 = arith.index_cast %swap3A_425 : i32 to index
      %swap3A_428 = arith.constant 0 : index
      %swap3A_429 = tpu.vector_load %arg7[%swap3A_426, %swap3A_427, %swap3A_428] {strides = array<i32>} : memref<64x8x16xf32, #tpu.memory_space<vmem>>, vector<16xf32>,
      tpu.vector_store %arg7[%swap3A_426, %swap3A_427, %swap3A_428], %gather3A_418 {strides = array<i32>} : memref<64x8x16xf32, #tpu.memory_space<vmem>>, vector<16xf32>,
      %mul3A_430 = arith.constant 16 : i32
      %mul3A_431 = arith.muli %add3A_172, %mul3A_430 : i32
      %add3A_432 = arith.constant 384 : i32
      %add3A_433 = arith.addi %add3A_432, %mul3A_431 : i32
      %add3A_434 = arith.constant 13 : i32
      %add3A_435 = arith.addi %add3A_433, %add3A_434 : i32
      %broadcast_in_dim3A_436 = vector.broadcast %add3A_435 : i32 to vector<16xi32>
      %gather3A_437 = tpu.vector_load_idx %arg6[%broadcast_in_dim3A_436] : memref<512xi32, #tpu.memory_space<vmem>>[vector<16xi32>], vector<16xi32>,
      %gather3A_438 = tpu.vector_load_idx %arg5[%gather3A_437, %iota3A] : memref<100x16xf32, #tpu.memory_space<vmem>>[vector<16xi32>, vector<16xi32>], vector<16xf32>,
      %mul3A_439 = arith.constant 2 : i32
      %mul3A_440 = arith.muli %add3A_172, %mul3A_439 : i32
      %add3A_441 = arith.constant 48 : i32
      %add3A_442 = arith.addi %add3A_441, %mul3A_440 : i32
      %add3A_443 = arith.constant 1 : i32
      %add3A_444 = arith.addi %add3A_442, %add3A_443 : i32
      %swap3A_445 = arith.constant 5 : i32
      %swap3A_446 = arith.index_cast %add3A_444 : i32 to index
      %swap3A_447 = arith.index_cast %swap3A_445 : i32 to index
      %swap3A_448 = arith.constant 0 : index
      %swap3A_449 = tpu.vector_load %arg7[%swap3A_446, %swap3A_447, %swap3A_448] {strides = array<i32>} : memref<64x8x16xf32, #tpu.memory_space<vmem>>, vector<16xf32>,
      tpu.vector_store %arg7[%swap3A_446, %swap3A_447, %swap3A_448], %gather3A_438 {strides = array<i32>} : memref<64x8x16xf32, #tpu.memory_space<vmem>>, vector<16xf32>,
      %mul3A_450 = arith.constant 16 : i32
      %mul3A_451 = arith.muli %add3A_172, %mul3A_450 : i32
      %add3A_452 = arith.constant 384 : i32
      %add3A_453 = arith.addi %add3A_452, %mul3A_451 : i32
      %add3A_454 = arith.constant 14 : i32
      %add3A_455 = arith.addi %add3A_453, %add3A_454 : i32
      %broadcast_in_dim3A_456 = vector.broadcast %add3A_455 : i32 to vector<16xi32>
      %gather3A_457 = tpu.vector_load_idx %arg6[%broadcast_in_dim3A_456] : memref<512xi32, #tpu.memory_space<vmem>>[vector<16xi32>], vector<16xi32>,
      %gather3A_458 = tpu.vector_load_idx %arg5[%gather3A_457, %iota3A] : memref<100x16xf32, #tpu.memory_space<vmem>>[vector<16xi32>, vector<16xi32>], vector<16xf32>,
      %mul3A_459 = arith.constant 2 : i32
      %mul3A_460 = arith.muli %add3A_172, %mul3A_459 : i32
      %add3A_461 = arith.constant 48 : i32
      %add3A_462 = arith.addi %add3A_461, %mul3A_460 : i32
      %add3A_463 = arith.constant 1 : i32
      %add3A_464 = arith.addi %add3A_462, %add3A_463 : i32
      %swap3A_465 = arith.constant 6 : i32
      %swap3A_466 = arith.index_cast %add3A_464 : i32 to index
      %swap3A_467 = arith.index_cast %swap3A_465 : i32 to index
      %swap3A_468 = arith.constant 0 : index
      %swap3A_469 = tpu.vector_load %arg7[%swap3A_466, %swap3A_467, %swap3A_468] {strides = array<i32>} : memref<64x8x16xf32, #tpu.memory_space<vmem>>, vector<16xf32>,
      tpu.vector_store %arg7[%swap3A_466, %swap3A_467, %swap3A_468], %gather3A_458 {strides = array<i32>} : memref<64x8x16xf32, #tpu.memory_space<vmem>>, vector<16xf32>,
      %mul3A_470 = arith.constant 16 : i32
      %mul3A_471 = arith.muli %add3A_172, %mul3A_470 : i32
      %add3A_472 = arith.constant 384 : i32
      %add3A_473 = arith.addi %add3A_472, %mul3A_471 : i32
      %add3A_474 = arith.constant 15 : i32
      %add3A_475 = arith.addi %add3A_473, %add3A_474 : i32
      %broadcast_in_dim3A_476 = vector.broadcast %add3A_475 : i32 to vector<16xi32>
      %gather3A_477 = tpu.vector_load_idx %arg6[%broadcast_in_dim3A_476] : memref<512xi32, #tpu.memory_space<vmem>>[vector<16xi32>], vector<16xi32>,
      %gather3A_478 = tpu.vector_load_idx %arg5[%gather3A_477, %iota3A] : memref<100x16xf32, #tpu.memory_space<vmem>>[vector<16xi32>, vector<16xi32>], vector<16xf32>,
      %mul3A_479 = arith.constant 2 : i32
      %mul3A_480 = arith.muli %add3A_172, %mul3A_479 : i32
      %add3A_481 = arith.constant 48 : i32
      %add3A_482 = arith.addi %add3A_481, %mul3A_480 : i32
      %add3A_483 = arith.constant 1 : i32
      %add3A_484 = arith.addi %add3A_482, %add3A_483 : i32
      %swap3A_485 = arith.constant 7 : i32
      %swap3A_486 = arith.index_cast %add3A_484 : i32 to index
      %swap3A_487 = arith.index_cast %swap3A_485 : i32 to index
      %swap3A_488 = arith.constant 0 : index
      %swap3A_489 = tpu.vector_load %arg7[%swap3A_486, %swap3A_487, %swap3A_488] {strides = array<i32>} : memref<64x8x16xf32, #tpu.memory_space<vmem>>, vector<16xf32>,
      tpu.vector_store %arg7[%swap3A_486, %swap3A_487, %swap3A_488], %gather3A_478 {strides = array<i32>} : memref<64x8x16xf32, #tpu.memory_space<vmem>>, vector<16xf32>,
    }
    %scan3A_83 = arith.constant 8 : i32
    %mul3A_84 = arith.constant 64 : i32
    %mul3A_85 = arith.muli %add3A, %mul3A_84 : i32
    %add3A_86 = arith.constant 48 : i32
    %add3A_87 = arith.addi %mul3A_85, %add3A_86 : i32
    %dma_start3A_88 = arith.constant 48 : i32
    %dma_start3A_89 = arith.constant 0 : i32
    %dma_start3A_90 = arith.constant 0 : i32
    %dma_start3A_91 = tpu.memref_slice %arg7[%dma_start3A_88, %dma_start3A_89, %dma_start3A_90] : memref<64x8x16xf32, #tpu.memory_space<vmem>> -> memref<16x8x16xf32, #tpu.memory_space<vmem>>
    %dma_start3A_92 = tpu.memref_reshape %arg4 : memref<16384x16xf32, #tpu.memory_space<hbm>> -> memref<2048x8x16xf32, #tpu.memory_space<hbm>>
    %dma_start3A_93 = arith.constant 0 : i32
    %dma_start3A_94 = arith.constant 0 : i32
    %dma_start3A_95 = tpu.memref_slice %dma_start3A_92[%add3A_87, %dma_start3A_93, %dma_start3A_94] : memref<2048x8x16xf32, #tpu.memory_space<hbm>> -> memref<16x8x16xf32, #tpu.memory_space<hbm>>
    %dma_start3A_96 = tpu.memref_reshape %arg4 : memref<16384x16xf32, #tpu.memory_space<hbm>> -> memref<2048x8x16xf32, #tpu.memory_space<hbm>>
    %dma_start3A_97 = arith.constant 0 : i32
    %dma_start3A_98 = arith.constant 0 : i32
    %dma_start3A_99 = tpu.memref_slice %dma_start3A_96[%add3A_87, %dma_start3A_97, %dma_start3A_98] : memref<2048x8x16xf32, #tpu.memory_space<hbm>> -> memref<16x8x16xf32, #tpu.memory_space<hbm>>
    %dma_start3A_100 = arith.constant 48 : i32
    %dma_start3A_101 = arith.constant 0 : i32
    %dma_start3A_102 = arith.constant 0 : i32
    %dma_start3A_103 = tpu.memref_slice %arg7[%dma_start3A_100, %dma_start3A_101, %dma_start3A_102] : memref<64x8x16xf32, #tpu.memory_space<vmem>> -> memref<16x8x16xf32, #tpu.memory_space<vmem>>
    tpu.enqueue_dma source(%dma_start3A_103 : memref<16x8x16xf32, #tpu.memory_space<vmem>>) target(%dma_start3A_99 : memref<16x8x16xf32, #tpu.memory_space<hbm>>) target_semaphore(%arg10 : memref<!tpu.dma_semaphore, #tpu.memory_space<semaphore_mem>>)
    %dma_wait3A_104 = arith.constant 0 : i32
    %dma_wait3A_105 = arith.constant 0 : i32
    %dma_wait3A_106 = arith.constant 0 : i32
    %dma_wait3A_107 = tpu.memref_slice %arg7[%dma_wait3A_104, %dma_wait3A_105, %dma_wait3A_106] : memref<64x8x16xf32, #tpu.memory_space<vmem>> -> memref<16x8x16xf32, #tpu.memory_space<vmem>>
    %dma_wait3A_108 = tpu.memref_reshape %arg4 : memref<16384x16xf32, #tpu.memory_space<hbm>> -> memref<2048x8x16xf32, #tpu.memory_space<hbm>>
    %dma_wait3A_109 = arith.constant 0 : i32
    %dma_wait3A_110 = arith.constant 0 : i32
    %dma_wait3A_111 = tpu.memref_slice %dma_wait3A_108[%add3A_12, %dma_wait3A_109, %dma_wait3A_110] : memref<2048x8x16xf32, #tpu.memory_space<hbm>> -> memref<16x8x16xf32, #tpu.memory_space<hbm>>
    %dma_wait3A_112 = tpu.memref_reshape %arg4 : memref<16384x16xf32, #tpu.memory_space<hbm>> -> memref<2048x8x16xf32, #tpu.memory_space<hbm>>
    %dma_wait3A_113 = arith.constant 0 : i32
    %dma_wait3A_114 = arith.constant 0 : i32
    %dma_wait3A_115 = tpu.memref_slice %dma_wait3A_112[%add3A_12, %dma_wait3A_113, %dma_wait3A_114] : memref<2048x8x16xf32, #tpu.memory_space<hbm>> -> memref<16x8x16xf32, #tpu.memory_space<hbm>>
    %dma_wait3A_116 = arith.constant 0 : i32
    %dma_wait3A_117 = arith.constant 0 : i32
    %dma_wait3A_118 = arith.constant 0 : i32
    %dma_wait3A_119 = tpu.memref_slice %arg7[%dma_wait3A_116, %dma_wait3A_117, %dma_wait3A_118] : memref<64x8x16xf32, #tpu.memory_space<vmem>> -> memref<16x8x16xf32, #tpu.memory_space<vmem>>
    tpu.wait_dma2 semaphore(%arg10 : memref<!tpu.dma_semaphore, #tpu.memory_space<semaphore_mem>>) src(%dma_wait3A_119 : memref<16x8x16xf32, #tpu.memory_space<vmem>>) dst(%dma_wait3A_115 : memref<16x8x16xf32, #tpu.memory_space<hbm>>)
    %dma_wait3A_120 = arith.constant 16 : i32
    %dma_wait3A_121 = arith.constant 0 : i32
    %dma_wait3A_122 = arith.constant 0 : i32
    %dma_wait3A_123 = tpu.memref_slice %arg7[%dma_wait3A_120, %dma_wait3A_121, %dma_wait3A_122] : memref<64x8x16xf32, #tpu.memory_space<vmem>> -> memref<16x8x16xf32, #tpu.memory_space<vmem>>
    %dma_wait3A_124 = tpu.memref_reshape %arg4 : memref<16384x16xf32, #tpu.memory_space<hbm>> -> memref<2048x8x16xf32, #tpu.memory_space<hbm>>
    %dma_wait3A_125 = arith.constant 0 : i32
    %dma_wait3A_126 = arith.constant 0 : i32
    %dma_wait3A_127 = tpu.memref_slice %dma_wait3A_124[%add3A_37, %dma_wait3A_125, %dma_wait3A_126] : memref<2048x8x16xf32, #tpu.memory_space<hbm>> -> memref<16x8x16xf32, #tpu.memory_space<hbm>>
    %dma_wait3A_128 = tpu.memref_reshape %arg4 : memref<16384x16xf32, #tpu.memory_space<hbm>> -> memref<2048x8x16xf32, #tpu.memory_space<hbm>>
    %dma_wait3A_129 = arith.constant 0 : i32
    %dma_wait3A_130 = arith.constant 0 : i32
    %dma_wait3A_131 = tpu.memref_slice %dma_wait3A_128[%add3A_37, %dma_wait3A_129, %dma_wait3A_130] : memref<2048x8x16xf32, #tpu.memory_space<hbm>> -> memref<16x8x16xf32, #tpu.memory_space<hbm>>
    %dma_wait3A_132 = arith.constant 16 : i32
    %dma_wait3A_133 = arith.constant 0 : i32
    %dma_wait3A_134 = arith.constant 0 : i32
    %dma_wait3A_135 = tpu.memref_slice %arg7[%dma_wait3A_132, %dma_wait3A_133, %dma_wait3A_134] : memref<64x8x16xf32, #tpu.memory_space<vmem>> -> memref<16x8x16xf32, #tpu.memory_space<vmem>>
    tpu.wait_dma2 semaphore(%arg10 : memref<!tpu.dma_semaphore, #tpu.memory_space<semaphore_mem>>) src(%dma_wait3A_135 : memref<16x8x16xf32, #tpu.memory_space<vmem>>) dst(%dma_wait3A_131 : memref<16x8x16xf32, #tpu.memory_space<hbm>>)
    %dma_wait3A_136 = arith.constant 32 : i32
    %dma_wait3A_137 = arith.constant 0 : i32
    %dma_wait3A_138 = arith.constant 0 : i32
    %dma_wait3A_139 = tpu.memref_slice %arg7[%dma_wait3A_136, %dma_wait3A_137, %dma_wait3A_138] : memref<64x8x16xf32, #tpu.memory_space<vmem>> -> memref<16x8x16xf32, #tpu.memory_space<vmem>>
    %dma_wait3A_140 = tpu.memref_reshape %arg4 : memref<16384x16xf32, #tpu.memory_space<hbm>> -> memref<2048x8x16xf32, #tpu.memory_space<hbm>>
    %dma_wait3A_141 = arith.constant 0 : i32
    %dma_wait3A_142 = arith.constant 0 : i32
    %dma_wait3A_143 = tpu.memref_slice %dma_wait3A_140[%add3A_62, %dma_wait3A_141, %dma_wait3A_142] : memref<2048x8x16xf32, #tpu.memory_space<hbm>> -> memref<16x8x16xf32, #tpu.memory_space<hbm>>
    %dma_wait3A_144 = tpu.memref_reshape %arg4 : memref<16384x16xf32, #tpu.memory_space<hbm>> -> memref<2048x8x16xf32, #tpu.memory_space<hbm>>
    %dma_wait3A_145 = arith.constant 0 : i32
    %dma_wait3A_146 = arith.constant 0 : i32
    %dma_wait3A_147 = tpu.memref_slice %dma_wait3A_144[%add3A_62, %dma_wait3A_145, %dma_wait3A_146] : memref<2048x8x16xf32, #tpu.memory_space<hbm>> -> memref<16x8x16xf32, #tpu.memory_space<hbm>>
    %dma_wait3A_148 = arith.constant 32 : i32
    %dma_wait3A_149 = arith.constant 0 : i32
    %dma_wait3A_150 = arith.constant 0 : i32
    %dma_wait3A_151 = tpu.memref_slice %arg7[%dma_wait3A_148, %dma_wait3A_149, %dma_wait3A_150] : memref<64x8x16xf32, #tpu.memory_space<vmem>> -> memref<16x8x16xf32, #tpu.memory_space<vmem>>
    tpu.wait_dma2 semaphore(%arg10 : memref<!tpu.dma_semaphore, #tpu.memory_space<semaphore_mem>>) src(%dma_wait3A_151 : memref<16x8x16xf32, #tpu.memory_space<vmem>>) dst(%dma_wait3A_147 : memref<16x8x16xf32, #tpu.memory_space<hbm>>)
    %dma_wait3A_152 = arith.constant 48 : i32
    %dma_wait3A_153 = arith.constant 0 : i32
    %dma_wait3A_154 = arith.constant 0 : i32
    %dma_wait3A_155 = tpu.memref_slice %arg7[%dma_wait3A_152, %dma_wait3A_153, %dma_wait3A_154] : memref<64x8x16xf32, #tpu.memory_space<vmem>> -> memref<16x8x16xf32, #tpu.memory_space<vmem>>
    %dma_wait3A_156 = tpu.memref_reshape %arg4 : memref<16384x16xf32, #tpu.memory_space<hbm>> -> memref<2048x8x16xf32, #tpu.memory_space<hbm>>
    %dma_wait3A_157 = arith.constant 0 : i32
    %dma_wait3A_158 = arith.constant 0 : i32
    %dma_wait3A_159 = tpu.memref_slice %dma_wait3A_156[%add3A_87, %dma_wait3A_157, %dma_wait3A_158] : memref<2048x8x16xf32, #tpu.memory_space<hbm>> -> memref<16x8x16xf32, #tpu.memory_space<hbm>>
    %dma_wait3A_160 = tpu.memref_reshape %arg4 : memref<16384x16xf32, #tpu.memory_space<hbm>> -> memref<2048x8x16xf32, #tpu.memory_space<hbm>>
    %dma_wait3A_161 = arith.constant 0 : i32
    %dma_wait3A_162 = arith.constant 0 : i32
    %dma_wait3A_163 = tpu.memref_slice %dma_wait3A_160[%add3A_87, %dma_wait3A_161, %dma_wait3A_162] : memref<2048x8x16xf32, #tpu.memory_space<hbm>> -> memref<16x8x16xf32, #tpu.memory_space<hbm>>
    %dma_wait3A_164 = arith.constant 48 : i32
    %dma_wait3A_165 = arith.constant 0 : i32
    %dma_wait3A_166 = arith.constant 0 : i32
    %dma_wait3A_167 = tpu.memref_slice %arg7[%dma_wait3A_164, %dma_wait3A_165, %dma_wait3A_166] : memref<64x8x16xf32, #tpu.memory_space<vmem>> -> memref<16x8x16xf32, #tpu.memory_space<vmem>>
    tpu.wait_dma2 semaphore(%arg10 : memref<!tpu.dma_semaphore, #tpu.memory_space<semaphore_mem>>) src(%dma_wait3A_167 : memref<16x8x16xf32, #tpu.memory_space<vmem>>) dst(%dma_wait3A_163 : memref<16x8x16xf32, #tpu.memory_space<hbm>>)
    return
  }
}

</mosaic_0001>

<sc_bundles>
// kernel: kernel.3.cloned.1.call-start
scs
__scs_entry_jumppad:
0x0: {  	(pc) =	sbr.rel $0x88, $3  }
0x1: {  	(tag) =	ssettag $0x0;
	lr =	simm.s32 $0x1  }
0x2: {  	[smem:$0x3F9F] =	sst lr;
	_ =	strace $0xD0000000  }
0x3: {  	_ = 	snop  }
0x4: {  	_ = 	snop  }
0x5: {  	_ = 	snop  }
0x6: {  	_ = 	snop  }
0x7: {  	_ = 	snop  }
__scs_overlays_trampoline_lowered:
0x8: {  	[smem:$0x3FAE] =	sst s0  }
0x9: {  	[smem:$0x3FAF] =	sst s1  }
0xa: {  	[smem:$0x3FB0] =	sst s2  }
0xb: {  	[smem:$0x3FB1] =	sst s3  }
0xc: {  	[smem:$0x3FB2] =	sst s4  }
0xd: {  	[smem:$0x3FB3] =	sst s5  }
0xe: {  	[smem:$0x3FB4] =	sst s6  }
0xf: {  	[smem:$0x3FB5] =	sst s7  }
0x10: {  	[smem:$0x3FB6] =	sst s8  }
0x11: {  	[smem:$0x3FB7] =	sst s9;
	s0 =	simm.s32 @!p0 $0x0  }
0x12: {  	s1 =	sld [smem:$0x3F9D];
	s0 =	simm.s32 @p0 $0x1  }
0x13: {  	[smem:$0x3FB8] =	sst s0;
	s0 =	simm.s32 @!p1 $0x0  }
0x14: {  	s2 =	sld [smem:$0x3F9C];
	s0 =	simm.s32 @p1 $0x1  }
0x15: {  	[smem:$0x3FB9] =	sst s0;
	s0 =	simm.s32 @!p2 $0x0  }
0x16: {  	s3 =	sld [smem:$0x3FDB];
	s0 =	simm.s32 @p2 $0x1  }
0x17: {  	s4 =	simm.s32 $0x1BF5;
	[smem:$0x3FBB] =	sst s0  }
0x18: {  	s0 =	sld [smem:$0x3F9E];
	_ =	swait.ge [sflag:s4], $0x0  }
0x19: {  	s7 =	sld [smem:$0x3F9F]  }
0x1a: {  	s8 =	sadd.s32 $0xFFFFE003, lr  }
0x1b: {  	s9 =	sadd.s32 $0xFFFFFEF7, lr;
	s5 =	simm.s32 $0xFFFFFFFF;
	p2 =	slt.u32 s8, $0xFFFFF086  }
0x1c: {  	p1 =	slt.u32 s9, $0xF7A;
	s5 =	simm.s32 @!p2 $0x0  }
0x1d: {  	s5 =	simm.s32 @p1 $0x1;
	p0 =	seq.s32 s7, s2  }
0x1e: {  	s7 =	smul.u32 @!p0 $0xF7A, s2;
	p2 =	seq.s32 @!p0 s5, $0x0  }
0x1f: {  	s9 =	smul.u32 $0xF7A, s1;
	s8 =	simm.s32 @!p0 $0x1BF5;
	p2 =	por !p2, p0  }
0x20: {  	[sflag:s8] =	ssyncset.s32 @!p0 $0xFFFFF086;
	s6 =	sadd.s32 @!p0 s3, s7;
	s7 =	simm.s32 @!p0 $0x108  }
0x21: {  	s3 =	sadd.s32 s3, s9;
	s6 =	sadd.s32 @!p0 $0x88, s6;
	s7 =	simm.s32 @p2 $0x1082  }
0x22: {  	[simem:s7], [sflag:s8] =	dma.local @!p0 [hbm:s6], $0xF7A  }
0x23: {  	s9 =	sor.u32 $0xD0000000, s2;
	s6 =	simm.s32 $0x108;
	_ =	swait.ge @!p0 [sflag:s8], $0x0  }
0x24: {  	s3 =	sadd.s32 $0x88, s3;
	s6 =	simm.s32 @!p1 $0x1082;
	[sflag:s4] =	ssyncset.s32 $0xFFFFF086  }
0x25: {  	[simem:s6], [sflag:s4] =	dma.local [hbm:s3], $0xF7A  }
0x26: {  	[smem:$0x3F9F] =	sst s1;
	(tag) =	ssettag s2;
	_ =	strace s9  }
0x27: {  	s1 =	sld [smem:$0x3FAF]  }
0x28: {  	s2 =	sld [smem:$0x3FB0]  }
0x29: {  	s4 =	sld [smem:$0x3FB2]  }
0x2a: {  	p0 =	seq.s32 s5, $0x0;
	s5 =	sld [smem:$0x3FB3]  }
0x2b: {  	s6 =	sld [smem:$0x3FB4]  }
0x2c: {  	s7 =	sld [smem:$0x3FB5]  }
0x2d: {  	s3 =	simm.s32 $0x108;
	s8 =	sld [smem:$0x3FB6]  }
0x2e: {  	s3 =	simm.s32 @!p0 $0x1082;
	s9 =	sld [smem:$0x3FB7]  }
0x2f: {  	lr =	sadd.s32 s0, s3;
	s0 =	sld [smem:$0x3FAE]  }
0x30: {  	s3 =	sld [smem:$0x3FB1]  }
0x31: {  	[smem:$0x3FBA] =	sst s10  }
0x32: {  	s10 =	sld [smem:$0x3FB8];
	_ =	sdelay $0x3  }
0x33: {  	p0 =	seq.s32 s10, $0x1;
	s10 =	sld [smem:$0x3FBA];
	_ =	sdelay $0x3  }
0x34: {  	[smem:$0x3FBA] =	sst s10  }
0x35: {  	s10 =	sld [smem:$0x3FB9];
	_ =	sdelay $0x3  }
0x36: {  	p1 =	seq.s32 s10, $0x1;
	s10 =	sld [smem:$0x3FBA];
	_ =	sdelay $0x3  }
0x37: {  	[smem:$0x3FBA] =	sst s10  }
0x38: {  	s10 =	sld [smem:$0x3FBB]  }
0x39: {  	_ = 	snop;
	(pc) =	sbr.ind lr, $3  }
0x3a: {  	_ = 	snop  }
0x3b: {  	_ = 	snop  }
0x3c: {  	p2 =	seq.s32 s10, $0x1;
	s10 =	sld [smem:$0x3FBA]  }
0x3d: {  	_ =	shalt  }
0x3e: {  	_ =	shalt  }
0x3f: {  	_ =	shalt  }
0x40: {  	_ =	shalt  }
0x41: {  	_ =	shalt  }
0x42: {  	_ =	shalt  }
0x43: {  	_ =	shalt  }
0x44: {  	_ =	shalt  }
0x45: {  	_ =	shalt  }
0x46: {  	_ =	shalt  }
0x47: {  	_ =	shalt  }
0x48: {  	_ =	shalt  }
0x49: {  	_ =	shalt  }
0x4a: {  	_ =	shalt  }
0x4b: {  	_ =	shalt  }
0x4c: {  	_ =	shalt  }
0x4d: {  	_ =	shalt  }
0x4e: {  	_ =	shalt  }
0x4f: {  	_ =	shalt  }
0x50: {  	_ =	shalt  }
0x51: {  	_ =	shalt  }
0x52: {  	_ =	shalt  }
0x53: {  	_ =	shalt  }
0x54: {  	_ =	shalt  }
0x55: {  	_ =	shalt  }
0x56: {  	_ =	shalt  }
0x57: {  	_ =	shalt  }
0x58: {  	_ =	shalt  }
0x59: {  	_ =	shalt  }
0x5a: {  	_ =	shalt  }
0x5b: {  	_ =	shalt  }
0x5c: {  	_ =	shalt  }
0x5d: {  	_ =	shalt  }
0x5e: {  	_ =	shalt  }
0x5f: {  	_ =	shalt  }
0x60: {  	_ =	shalt  }
0x61: {  	_ =	shalt  }
0x62: {  	_ =	shalt  }
0x63: {  	_ =	shalt  }
0x64: {  	_ =	shalt  }
0x65: {  	_ =	shalt  }
0x66: {  	_ =	shalt  }
0x67: {  	_ =	shalt  }
0x68: {  	_ =	shalt  }
0x69: {  	_ =	shalt  }
0x6a: {  	_ =	shalt  }
0x6b: {  	_ =	shalt  }
0x6c: {  	_ =	shalt  }
0x6d: {  	_ =	shalt  }
0x6e: {  	_ =	shalt  }
0x6f: {  	_ =	shalt  }
0x70: {  	_ =	shalt  }
0x71: {  	_ =	shalt  }
0x72: {  	_ =	shalt  }
0x73: {  	_ =	shalt  }
0x74: {  	_ =	shalt  }
0x75: {  	_ =	shalt  }
0x76: {  	_ =	shalt  }
0x77: {  	_ =	shalt  }
0x78: {  	_ =	shalt  }
0x79: {  	_ =	shalt  }
0x7a: {  	_ =	shalt  }
0x7b: {  	_ =	shalt  }
0x7c: {  	_ =	shalt  }
0x7d: {  	_ =	shalt  }
0x7e: {  	_ =	shalt  }
0x7f: {  	_ =	shalt  }
0x80: {  	_ =	shalt  }
0x81: {  	_ =	shalt  }
0x82: {  	_ =	shalt  }
0x83: {  	_ =	shalt  }
0x84: {  	_ =	shalt  }
0x85: {  	_ =	shalt  }
0x86: {  	_ =	shalt  }
0x87: {  	_ =	shalt  }
.Lfunc_end0:
.L_simem_size_0:
called_computation_lowered:
.L_overlay_start_0:
0x88: {  	s2 =	sld [smem:$0x3FD9]  }
0x89: {  	s3 =	sld [smem:$0x3FFE];
	_ =	sdelay $0x1  }
0x8a: {  	s1 =	srdreg.scid  }
0x8b: {  	s0 =	sand.u32 $0x1, s1  }
0x8c: {  	s17 =	sshll.u32 s0, $0xA;
	s2 =	sadd.s32 s3, s2  }
0x8d: {  	s2 =	sadd.s32 s2, s17  }
0x8e: {  	[smem:$0x3FC6] =	sst s2  }
0x8f: {  	_ = 	snop  }
0x90: {  	s2 =	sld [smem:$0x3FC9]  }
0x91: {  	s18 =	sld [smem:$0x3FD0];
	(tm) =	ssettm $0x1  }
0x92: {  	s4 =	sld [smem:$0x3FFB];
	_ =	sdelay $0x3  }
0x93: {  	_ =	strace s4  }
0x94: {  	s4 =	sld [smem:$0x3FFC];
	_ =	sdelay $0x3  }
0x95: {  	_ =	strace s4  }
0x96: {  	s4 =	sld [smem:$0x3FFD];
	_ =	sdelay $0x3  }
0x97: {  	_ =	strace s4  }
0x98: {  	_ =	strace $0x8FFFFFFF  }
0x99: {  	s19 =	sld [smem:$0x3FDB];
	_ =	sdelay $0x1  }
0x9a: {  	s5 =	simm.s32 $_scs_section_size  }
0x9b: {  	s6 =	simm.s32 $_size__tile_overlayer_lowered;
	s7 =	simm.s32 $_tile_overlayer_lowered  }
0x9c: {  	s22 =	simm.s32 $0x1BFF;
	s21 =	sshll.u32 s7, $0x1;
	s4 =	sadd.s32 s5, s19  }
0x9d: {  	s8 =	simm.s32 $0x0;
	s20 =	sshll.u32 s6, $0x1;
	s6 =	sadd.s32 s21, s4  }
0x9e: {  	[timem:s8], [sflag:s22] =	dma.local [hbm:s6], s20  }
0x9f: {  	_ =	swait.ge [sflag:s22], s20  }
0xa0: {  	s5 =	ssub.s32 $0x0, s20;
	[sflag:s22] =	ssyncset.done $0x0  }
0xa1: {  	[sflag:s22] =	ssyncadd.s32 s5;
	_ =	sdelay $0x1  }
0xa2: {  	s23 =	simm.s32 $0x1B8B  }
0xa3: {  	_ =	swait.ge [sflag:s23], $0x1  }
0xa4: {  	[sflag:s23] =	ssyncset.done $0x0  }
0xa5: {  	s25 =	simm.s32 $0x1B8E;
	s24 =	sld [smem:$0x3FFE];
	[sflag:s23] =	ssyncadd.s32 $0xFFFFFFFF  }
0xa6: {  	s26 =	simm.s32 $execute0_lowered;
	[smem:$0x3FD2] =	sst s25  }
0xa7: {  	s6 =	sshll.u32 s26, $0x1;
	_ =	strace $0x80000046;
	[dreg:$0x1] =	wrdreg $0xFFFFFFFF  }
0xa8: {  	s28 =	simm.s32 $_size_execute0_lowered;
	s4 =	sadd.s32 s4, s6;
	[dreg:$0x0] =	wrdreg $0x0  }
0xa9: {  	s6 =	sshll.u32 s28, $0x1;
	[dreg:$0x2] =	wrdreg s4  }
0xaa: {  	[dreg:$0x3] =	wrdreg s6  }
0xab: {  	[dreg:$0x4] =	wrdreg $0xC0  }
0xac: {  	_ =	task [dreg:s8], $0x5FFFF  }
0xad: {  	[dreg:$0x1] =	wrdreg $0xFFFFFFFF  }
0xae: {  	[dreg:$0x0] =	wrdreg $0x60  }
0xaf: {  	[dreg:$0x2] =	wrdreg s18  }
0xb0: {  	[dreg:$0x3] =	wrdreg s2  }
0xb1: {  	[dreg:$0x4] =	wrdreg s24  }
0xb2: {  	[dreg:$0x5] =	wrdreg $0x9  }
0xb3: {  	_ =	task.clear_ibuf [dreg:s8], $0x6FFFF;
	_ =	strace $0x90000046  }
0xb4: {  	s29 =	simm.s32 $0x9;
	_ =	strace $0x80000048  }
0xb5: {  	_ =	swait.ge [sflag:s29], $0x1  }
0xb6: {  	[sflag:s29] =	ssyncadd.s32 $0xFFFFFFFF  }
0xb7: {  	_ =	strace $0x90000048  }
0xb8: {  	_ =	sfence  }
0xb9: {  	s30 =	sld [smem:$0x0];
	_ =	sdelay $0x2  }
0xba: {  	s31 =	sshll.u32 s1, $0xD;
	s1 =	sshrl.u32 s1, $0x2  }
0xbb: {  	s3 =	sand.u32 $0x4000, s31;
	s1 =	sadd.s32 s1, s30  }
0xbc: {  	s0 =	sor.u32 s3, s0;
	s1 =	sshll.u32 s1, $0x11  }
0xbd: {  	s0 =	sor.u32 s1, s0  }
0xbe: {  	s0 =	sadd.s32 $0x8F2B, s0  }
0xbf: {  	[sflag:s0] =	ssyncadd.remote.s32 $0x1  }
0xc0: {  	_ =	sfence.sel $0xFFFF  }
0xc1: {  	[dreg:$0x0] =	wrdreg $0xFFFFFFFF;
	(pc) =	sbr.abs _section_cstart, $3  }
0xc2: {  	[dreg:$0x1] =	wrdreg $0xFFFFFFFF  }
0xc3: {  	_ =	task.clear_ibuf [dreg:s8], $0x2FFFF;
	_ =	strace $0x9FFFFFFF  }
0xc4: {  	(tm) =	ssettm $0x7FFFFFFF  }
0xc5: {  	_ =	shalt  }
tec
execute0_lowered:
.L_overlay_start_1:
0x0: {  	(tag) =	ssettag $0x1  }
0x1: {  	s1 =	rddreg [dreg:$0x0]  }
0x2: {  	s4 =	rddreg [dreg:$0x1]  }
0x3: {  	s5 =	rddreg [dreg:$0x2]  }
0x4: {  	s0 =	rddreg [dreg:$0x3]  }
0x5: {  	s6 =	srdreg.scid;
	s2 =	stileid.u32  }
0x6: {  	s3 =	simm.s32 $0x0;
	s10 =	simm.s32 $0x3400;
	s11 =	simm.s32 $0x2  }
0x7: {  	s12 =	simm.s32 $0x1;
	s13 =	simm.s32 $0x3600;
	s14 =	simm.s32 $0x7600  }
0x8: {  	s15 =	simm.s32 $0xB600;
	s16 =	simm.s32 $0xF600;
	s17 =	simm.s32 $0x3  }
0x9: {  	s18 =	simm.s32 $0x0;
	s6 =	sand.u32 $0x1, s6;
	s7 =	sshll.u32 s2, $0x1  }
0xa: {  	[smem:$0x7FF] =	sst s3;
	s7 =	sor.u32 s6, s7;
	s6 =	ssub.s32 $0x2, s6  }
0xb: {  	_ =	strace $0x80000047;
	s8 =	sshll.u32 s7, $0xD;
	s9 =	sshrl.u32 s6, $0x1  }
0xc: {  	s31 =	sshll.u32 s7, $0x6;
	s8 =	sadd.s32 s8, s5;
	s9 =	ssub.s32 s6, s9  }
0xd: {  	s4 =	sadd.s32 s4, s31;
	s5 =	sadd.s32 $0x400, s8;
	s6 =	sadd.s32 $0xC00, s8  }
0xe: {  	v0 =	vlaneseq.u32;
	s7 =	sadd.s32 $0x1400, s8;
	s8 =	sadd.s32 $0x1C00, s8;
	s9 =	smax.u32 s9, $0x1  }
.LBB2_1:
0xf: {  	[tilespmem:s3], [sflag:$0x1] =	stream.linear.gather [hbm4b:s1+s3], $0x3200, $0x38;
	[tilespmem:$0x13600] =	vst v63  }
0x10: {  	_ = 	snop  }
0x11: {  	[tilespmem:s10], [sflag:$0x2] =	stream.linear.gather [hbm4b:s4+s3], $0x200, $0x38;
	[tilespmem:$0x13600] =	vst v63  }
0x12: {  	_ =	swait.ge [sflag:s11], $0x200  }
0x13: {  	[sflag:s11] =	ssyncset.done $0x0  }
0x14: {  	[sflag:s11] =	ssyncadd.s32 $0xFFFFFE00  }
0x15: {  	_ =	swait.ge [sflag:s12], $0x3200  }
0x16: {  	[sflag:s12] =	ssyncset.done $0x0  }
0x17: {  	s19 =	simm.s32 $0xF;
	s20 =	simm.s32 $0x3A00;
	[sflag:s12] =	ssyncadd.s32 $0xFFFFCE00  }
.LBB2_2:
0x18: {  	s21 =	sadd.s32 $0xFFFFFFF1, s19  }
0x19: {  	v1 =	vmov s21  }
0x1a: {  	v1 =	vand.u32 $0xFFFFFFF0, v1  }
0x1b: {  	v1 =	vbroadcast v1, $0x0;
	_ =	sdelay $0x5  }
0x1c: {  	v1 =	vld.idx.msk [tilespmem:v1+s10+$0x0], $0xffff;
	_ =	sdelay $0x4  }
0x1d: {  	v1 =	vshll.u32 v1, $0x7  }
0x1e: {  	v1 =	vor.u32 v0, v1;
	_ =	sdelay $0x1  }
0x1f: {  	s26 =	sadd.s32 $0xFFFFFFF2, s19  }
0x20: {  	v2 =	vmov s26  }
0x21: {  	v2 =	vand.u32 $0xFFFFFFF1, v2  }
0x22: {  	v2 =	vbroadcast v2, $0x0;
	v1 =	vld.idx.msk [tilespmem:v1+s3+$0x0], $0xffff;
	_ =	sdelay $0x4  }
0x23: {  	[tilespmem:s20+$0xFFFFFC00] =	vst v1  }
0x24: {  	v1 =	vld.idx.msk [tilespmem:v2+s10+$0x0], $0xffff;
	_ =	sdelay $0x4  }
0x25: {  	v1 =	vshll.u32 v1, $0x7  }
0x26: {  	v1 =	vor.u32 v0, v1;
	_ =	sdelay $0x1  }
0x27: {  	s28 =	sadd.s32 $0xFFFFFFF3, s19  }
0x28: {  	v2 =	vmov s28  }
0x29: {  	v2 =	vand.u32 $0xFFFFFFF2, v2  }
0x2a: {  	v2 =	vbroadcast v2, $0x0;
	v1 =	vld.idx.msk [tilespmem:v1+s3+$0x0], $0xffff;
	_ =	sdelay $0x4  }
0x2b: {  	[tilespmem:s20+$0xFFFFFC80] =	vst v1  }
0x2c: {  	v1 =	vld.idx.msk [tilespmem:v2+s10+$0x0], $0xffff;
	_ =	sdelay $0x4  }
0x2d: {  	v1 =	vshll.u32 v1, $0x7  }
0x2e: {  	v1 =	vor.u32 v0, v1;
	_ =	sdelay $0x1  }
0x2f: {  	s29 =	sadd.s32 $0xFFFFFFF4, s19  }
0x30: {  	v2 =	vmov s29  }
0x31: {  	v2 =	vand.u32 $0xFFFFFFF3, v2  }
0x32: {  	v2 =	vbroadcast v2, $0x0;
	v1 =	vld.idx.msk [tilespmem:v1+s3+$0x0], $0xffff;
	_ =	sdelay $0x4  }
0x33: {  	[tilespmem:s20+$0xFFFFFD00] =	vst v1  }
0x34: {  	v1 =	vld.idx.msk [tilespmem:v2+s10+$0x0], $0xffff;
	_ =	sdelay $0x4  }
0x35: {  	v1 =	vshll.u32 v1, $0x7  }
0x36: {  	v1 =	vor.u32 v0, v1;
	_ =	sdelay $0x1  }
0x37: {  	s30 =	sadd.s32 $0xFFFFFFF5, s19  }
0x38: {  	v2 =	vmov s30  }
0x39: {  	v2 =	vand.u32 $0xFFFFFFF4, v2  }
0x3a: {  	v2 =	vbroadcast v2, $0x0;
	v1 =	vld.idx.msk [tilespmem:v1+s3+$0x0], $0xffff;
	_ =	sdelay $0x4  }
0x3b: {  	[tilespmem:s20+$0xFFFFFD80] =	vst v1  }
0x3c: {  	v1 =	vld.idx.msk [tilespmem:v2+s10+$0x0], $0xffff;
	_ =	sdelay $0x4  }
0x3d: {  	v1 =	vshll.u32 v1, $0x7  }
0x3e: {  	v1 =	vor.u32 v0, v1;
	_ =	sdelay $0x1  }
0x3f: {  	s31 =	sadd.s32 $0xFFFFFFF6, s19  }
0x40: {  	v2 =	vmov s31  }
0x41: {  	v2 =	vand.u32 $0xFFFFFFF5, v2  }
0x42: {  	v2 =	vbroadcast v2, $0x0;
	v1 =	vld.idx.msk [tilespmem:v1+s3+$0x0], $0xffff;
	_ =	sdelay $0x4  }
0x43: {  	[tilespmem:s20+$0xFFFFFE00] =	vst v1  }
0x44: {  	v1 =	vld.idx.msk [tilespmem:v2+s10+$0x0], $0xffff;
	_ =	sdelay $0x4  }
0x45: {  	v1 =	vshll.u32 v1, $0x7  }
0x46: {  	v1 =	vor.u32 v0, v1;
	_ =	sdelay $0x1  }
0x47: {  	s22 =	sadd.s32 $0xFFFFFFF7, s19  }
0x48: {  	v2 =	vmov s22  }
0x49: {  	v2 =	vand.u32 $0xFFFFFFF6, v2  }
0x4a: {  	v2 =	vbroadcast v2, $0x0;
	v1 =	vld.idx.msk [tilespmem:v1+s3+$0x0], $0xffff;
	_ =	sdelay $0x4  }
0x4b: {  	[tilespmem:s20+$0xFFFFFE80] =	vst v1  }
0x4c: {  	v1 =	vld.idx.msk [tilespmem:v2+s10+$0x0], $0xffff;
	_ =	sdelay $0x4  }
0x4d: {  	v1 =	vshll.u32 v1, $0x7  }
0x4e: {  	v1 =	vor.u32 v0, v1;
	_ =	sdelay $0x1  }
0x4f: {  	s23 =	sadd.s32 $0xFFFFFFF8, s19  }
0x50: {  	v2 =	vmov s23  }
0x51: {  	v2 =	vand.u32 $0xFFFFFFF7, v2  }
0x52: {  	v2 =	vbroadcast v2, $0x0;
	v1 =	vld.idx.msk [tilespmem:v1+s3+$0x0], $0xffff;
	_ =	sdelay $0x4  }
0x53: {  	[tilespmem:s20+$0xFFFFFF00] =	vst v1  }
0x54: {  	v1 =	vld.idx.msk [tilespmem:v2+s10+$0x0], $0xffff;
	_ =	sdelay $0x4  }
0x55: {  	v1 =	vshll.u32 v1, $0x7  }
0x56: {  	v1 =	vor.u32 v0, v1;
	_ =	sdelay $0x1  }
0x57: {  	s24 =	sadd.s32 $0xFFFFFFF9, s19  }
0x58: {  	v2 =	vmov s24  }
0x59: {  	v2 =	vand.u32 $0xFFFFFFF8, v2  }
0x5a: {  	v2 =	vbroadcast v2, $0x0;
	v1 =	vld.idx.msk [tilespmem:v1+s3+$0x0], $0xffff;
	_ =	sdelay $0x4  }
0x5b: {  	[tilespmem:s20+$0xFFFFFF80] =	vst v1  }
0x5c: {  	v1 =	vld.idx.msk [tilespmem:v2+s10+$0x0], $0xffff;
	_ =	sdelay $0x4  }
0x5d: {  	v1 =	vshll.u32 v1, $0x7  }
0x5e: {  	v1 =	vor.u32 v0, v1;
	_ =	sdelay $0x1  }
0x5f: {  	s25 =	sadd.s32 $0xFFFFFFFA, s19  }
0x60: {  	v2 =	vmov s25  }
0x61: {  	v2 =	vand.u32 $0xFFFFFFF9, v2  }
0x62: {  	v2 =	vbroadcast v2, $0x0;
	v1 =	vld.idx.msk [tilespmem:v1+s3+$0x0], $0xffff;
	_ =	sdelay $0x4  }
0x63: {  	[tilespmem:s20+$0x0] =	vst v1  }
0x64: {  	v1 =	vld.idx.msk [tilespmem:v2+s10+$0x0], $0xffff;
	_ =	sdelay $0x4  }
0x65: {  	v1 =	vshll.u32 v1, $0x7  }
0x66: {  	v1 =	vor.u32 v0, v1;
	_ =	sdelay $0x1  }
0x67: {  	s26 =	sadd.s32 $0xFFFFFFFB, s19  }
0x68: {  	v2 =	vmov s26  }
0x69: {  	v2 =	vand.u32 $0xFFFFFFFA, v2  }
0x6a: {  	v2 =	vbroadcast v2, $0x0;
	v1 =	vld.idx.msk [tilespmem:v1+s3+$0x0], $0xffff;
	_ =	sdelay $0x4  }
0x6b: {  	[tilespmem:s20+$0x80] =	vst v1  }
0x6c: {  	v1 =	vld.idx.msk [tilespmem:v2+s10+$0x0], $0xffff;
	_ =	sdelay $0x4  }
0x6d: {  	v1 =	vshll.u32 v1, $0x7  }
0x6e: {  	v1 =	vor.u32 v0, v1;
	_ =	sdelay $0x1  }
0x6f: {  	s28 =	sadd.s32 $0xFFFFFFFC, s19  }
0x70: {  	v2 =	vmov s28  }
0x71: {  	v2 =	vand.u32 $0xFFFFFFFB, v2  }
0x72: {  	v2 =	vbroadcast v2, $0x0;
	v1 =	vld.idx.msk [tilespmem:v1+s3+$0x0], $0xffff;
	_ =	sdelay $0x4  }
0x73: {  	[tilespmem:s20+$0x100] =	vst v1  }
0x74: {  	v1 =	vld.idx.msk [tilespmem:v2+s10+$0x0], $0xffff;
	_ =	sdelay $0x4  }
0x75: {  	v1 =	vshll.u32 v1, $0x7  }
0x76: {  	v1 =	vor.u32 v0, v1;
	_ =	sdelay $0x1  }
0x77: {  	s29 =	sadd.s32 $0xFFFFFFFD, s19  }
0x78: {  	v2 =	vmov s29  }
0x79: {  	v2 =	vand.u32 $0xFFFFFFFC, v2  }
0x7a: {  	v2 =	vbroadcast v2, $0x0;
	v1 =	vld.idx.msk [tilespmem:v1+s3+$0x0], $0xffff;
	_ =	sdelay $0x4  }
0x7b: {  	[tilespmem:s20+$0x180] =	vst v1  }
0x7c: {  	v1 =	vld.idx.msk [tilespmem:v2+s10+$0x0], $0xffff;
	_ =	sdelay $0x4  }
0x7d: {  	v1 =	vshll.u32 v1, $0x7  }
0x7e: {  	v1 =	vor.u32 v0, v1;
	_ =	sdelay $0x1  }
0x7f: {  	s30 =	sadd.s32 $0xFFFFFFFE, s19  }
0x80: {  	v2 =	vmov s30  }
0x81: {  	v2 =	vand.u32 $0xFFFFFFFD, v2  }
0x82: {  	v2 =	vbroadcast v2, $0x0;
	v1 =	vld.idx.msk [tilespmem:v1+s3+$0x0], $0xffff;
	_ =	sdelay $0x4  }
0x83: {  	[tilespmem:s20+$0x200] =	vst v1  }
0x84: {  	v1 =	vld.idx.msk [tilespmem:v2+s10+$0x0], $0xffff;
	_ =	sdelay $0x4  }
0x85: {  	v1 =	vshll.u32 v1, $0x7  }
0x86: {  	v1 =	vor.u32 v0, v1;
	_ =	sdelay $0x1  }
0x87: {  	s31 =	sadd.s32 $0xFFFFFFFF, s19  }
0x88: {  	v2 =	vmov s31  }
0x89: {  	v2 =	vand.u32 $0xFFFFFFFE, v2  }
0x8a: {  	v2 =	vbroadcast v2, $0x0;
	v1 =	vld.idx.msk [tilespmem:v1+s3+$0x0], $0xffff;
	_ =	sdelay $0x4  }
0x8b: {  	[tilespmem:s20+$0x280] =	vst v1  }
0x8c: {  	v1 =	vld.idx.msk [tilespmem:v2+s10+$0x0], $0xffff;
	_ =	sdelay $0x4  }
0x8d: {  	v1 =	vshll.u32 v1, $0x7  }
0x8e: {  	v1 =	vor.u32 v0, v1;
	_ =	sdelay $0x4  }
0x8f: {  	v1 =	vld.idx.msk [tilespmem:v1+s3+$0x0], $0xffff  }
0x90: {  	v2 =	vmov s19;
	_ =	sdelay $0x3  }
0x91: {  	[tilespmem:s20+$0x300] =	vst v1  }
0x92: {  	v1 =	vld.idx.msk [tilespmem:v2+s10+$0x0], $0xffff;
	_ =	sdelay $0x4  }
0x93: {  	v1 =	vshll.u32 v1, $0x7  }
0x94: {  	v1 =	vor.u32 v0, v1;
	_ =	sdelay $0x4  }
0x95: {  	p0 =	sne.s32 s19, $0x7F;
	v1 =	vld.idx.msk [tilespmem:v1+s3+$0x0], $0xffff  }
.Ltmp0:
0x96: {  	_ = 	snop;
	(pc) =	sbr.rel @p0 .LBB2_2-.Ltmp0, $2  }
0x97: {  	_ =	sdelay $0x2  }
0x98: {  	s19 =	sadd.s32 $0x10, s19;
	[tilespmem:s20+$0x380] =	vst v1;
	s20 =	sadd.s32 $0x800, s20  }
0x99: {  	[hbm4b:s5+s3] =	stream.linear.scatter [tilespmem:s13], [sflag:$0x3], $0x4000, $0x38;
	[tilespmem:$0x13600] =	vst v63  }
0x9a: {  	s19 =	simm.s32 $0x8F;
	s20 =	simm.s32 $0x7600  }
.LBB2_4:
0x9b: {  	s21 =	sadd.s32 $0xFFFFFFF1, s19  }
0x9c: {  	v1 =	vmov s21  }
0x9d: {  	v1 =	vand.u32 $0xFFFFFFF0, v1  }
0x9e: {  	v1 =	vbroadcast v1, $0x0;
	_ =	sdelay $0x5  }
0x9f: {  	v1 =	vld.idx.msk [tilespmem:v1+s10+$0x0], $0xffff;
	_ =	sdelay $0x4  }
0xa0: {  	v1 =	vshll.u32 v1, $0x7  }
0xa1: {  	v1 =	vor.u32 v0, v1;
	_ =	sdelay $0x1  }
0xa2: {  	s26 =	sadd.s32 $0xFFFFFFF2, s19  }
0xa3: {  	v2 =	vmov s26  }
0xa4: {  	v2 =	vand.u32 $0xFFFFFFF1, v2  }
0xa5: {  	v2 =	vbroadcast v2, $0x0;
	v1 =	vld.idx.msk [tilespmem:v1+s3+$0x0], $0xffff;
	_ =	sdelay $0x4  }
0xa6: {  	[tilespmem:s20+$0x0] =	vst v1  }
0xa7: {  	v1 =	vld.idx.msk [tilespmem:v2+s10+$0x0], $0xffff;
	_ =	sdelay $0x4  }
0xa8: {  	v1 =	vshll.u32 v1, $0x7  }
0xa9: {  	v1 =	vor.u32 v0, v1;
	_ =	sdelay $0x1  }
0xaa: {  	s28 =	sadd.s32 $0xFFFFFFF3, s19  }
0xab: {  	v2 =	vmov s28  }
0xac: {  	v2 =	vand.u32 $0xFFFFFFF2, v2  }
0xad: {  	v2 =	vbroadcast v2, $0x0;
	v1 =	vld.idx.msk [tilespmem:v1+s3+$0x0], $0xffff;
	_ =	sdelay $0x4  }
0xae: {  	[tilespmem:s20+$0x80] =	vst v1  }
0xaf: {  	v1 =	vld.idx.msk [tilespmem:v2+s10+$0x0], $0xffff;
	_ =	sdelay $0x4  }
0xb0: {  	v1 =	vshll.u32 v1, $0x7  }
0xb1: {  	v1 =	vor.u32 v0, v1;
	_ =	sdelay $0x1  }
0xb2: {  	s29 =	sadd.s32 $0xFFFFFFF4, s19  }
0xb3: {  	v2 =	vmov s29  }
0xb4: {  	v2 =	vand.u32 $0xFFFFFFF3, v2  }
0xb5: {  	v2 =	vbroadcast v2, $0x0;
	v1 =	vld.idx.msk [tilespmem:v1+s3+$0x0], $0xffff;
	_ =	sdelay $0x4  }
0xb6: {  	[tilespmem:s20+$0x100] =	vst v1  }
0xb7: {  	v1 =	vld.idx.msk [tilespmem:v2+s10+$0x0], $0xffff;
	_ =	sdelay $0x4  }
0xb8: {  	v1 =	vshll.u32 v1, $0x7  }
0xb9: {  	v1 =	vor.u32 v0, v1;
	_ =	sdelay $0x1  }
0xba: {  	s30 =	sadd.s32 $0xFFFFFFF5, s19  }
0xbb: {  	v2 =	vmov s30  }
0xbc: {  	v2 =	vand.u32 $0xFFFFFFF4, v2  }
0xbd: {  	v2 =	vbroadcast v2, $0x0;
	v1 =	vld.idx.msk [tilespmem:v1+s3+$0x0], $0xffff;
	_ =	sdelay $0x4  }
0xbe: {  	[tilespmem:s20+$0x180] =	vst v1  }
0xbf: {  	v1 =	vld.idx.msk [tilespmem:v2+s10+$0x0], $0xffff;
	_ =	sdelay $0x4  }
0xc0: {  	v1 =	vshll.u32 v1, $0x7  }
0xc1: {  	v1 =	vor.u32 v0, v1;
	_ =	sdelay $0x1  }
0xc2: {  	s31 =	sadd.s32 $0xFFFFFFF6, s19  }
0xc3: {  	v2 =	vmov s31  }
0xc4: {  	v2 =	vand.u32 $0xFFFFFFF5, v2  }
0xc5: {  	v2 =	vbroadcast v2, $0x0;
	v1 =	vld.idx.msk [tilespmem:v1+s3+$0x0], $0xffff;
	_ =	sdelay $0x4  }
0xc6: {  	[tilespmem:s20+$0x200] =	vst v1  }
0xc7: {  	v1 =	vld.idx.msk [tilespmem:v2+s10+$0x0], $0xffff;
	_ =	sdelay $0x4  }
0xc8: {  	v1 =	vshll.u32 v1, $0x7  }
0xc9: {  	v1 =	vor.u32 v0, v1;
	_ =	sdelay $0x1  }
0xca: {  	s22 =	sadd.s32 $0xFFFFFFF7, s19  }
0xcb: {  	v2 =	vmov s22  }
0xcc: {  	v2 =	vand.u32 $0xFFFFFFF6, v2  }
0xcd: {  	v2 =	vbroadcast v2, $0x0;
	v1 =	vld.idx.msk [tilespmem:v1+s3+$0x0], $0xffff;
	_ =	sdelay $0x4  }
0xce: {  	[tilespmem:s20+$0x280] =	vst v1  }
0xcf: {  	v1 =	vld.idx.msk [tilespmem:v2+s10+$0x0], $0xffff;
	_ =	sdelay $0x4  }
0xd0: {  	v1 =	vshll.u32 v1, $0x7  }
0xd1: {  	v1 =	vor.u32 v0, v1;
	_ =	sdelay $0x1  }
0xd2: {  	s23 =	sadd.s32 $0xFFFFFFF8, s19  }
0xd3: {  	v2 =	vmov s23  }
0xd4: {  	v2 =	vand.u32 $0xFFFFFFF7, v2  }
0xd5: {  	v2 =	vbroadcast v2, $0x0;
	v1 =	vld.idx.msk [tilespmem:v1+s3+$0x0], $0xffff;
	_ =	sdelay $0x4  }
0xd6: {  	[tilespmem:s20+$0x300] =	vst v1  }
0xd7: {  	v1 =	vld.idx.msk [tilespmem:v2+s10+$0x0], $0xffff;
	_ =	sdelay $0x4  }
0xd8: {  	v1 =	vshll.u32 v1, $0x7  }
0xd9: {  	v1 =	vor.u32 v0, v1;
	_ =	sdelay $0x1  }
0xda: {  	s24 =	sadd.s32 $0xFFFFFFF9, s19  }
0xdb: {  	v2 =	vmov s24  }
0xdc: {  	v2 =	vand.u32 $0xFFFFFFF8, v2  }
0xdd: {  	v2 =	vbroadcast v2, $0x0;
	v1 =	vld.idx.msk [tilespmem:v1+s3+$0x0], $0xffff;
	_ =	sdelay $0x4  }
0xde: {  	[tilespmem:s20+$0x380] =	vst v1  }
0xdf: {  	v1 =	vld.idx.msk [tilespmem:v2+s10+$0x0], $0xffff;
	_ =	sdelay $0x4  }
0xe0: {  	v1 =	vshll.u32 v1, $0x7  }
0xe1: {  	v1 =	vor.u32 v0, v1;
	_ =	sdelay $0x1  }
0xe2: {  	s25 =	sadd.s32 $0xFFFFFFFA, s19  }
0xe3: {  	v2 =	vmov s25  }
0xe4: {  	v2 =	vand.u32 $0xFFFFFFF9, v2  }
0xe5: {  	v2 =	vbroadcast v2, $0x0;
	v1 =	vld.idx.msk [tilespmem:v1+s3+$0x0], $0xffff;
	_ =	sdelay $0x4  }
0xe6: {  	[tilespmem:s20+$0x400] =	vst v1  }
0xe7: {  	v1 =	vld.idx.msk [tilespmem:v2+s10+$0x0], $0xffff;
	_ =	sdelay $0x4  }
0xe8: {  	v1 =	vshll.u32 v1, $0x7  }
0xe9: {  	v1 =	vor.u32 v0, v1;
	_ =	sdelay $0x1  }
0xea: {  	s26 =	sadd.s32 $0xFFFFFFFB, s19  }
0xeb: {  	v2 =	vmov s26  }
0xec: {  	v2 =	vand.u32 $0xFFFFFFFA, v2  }
0xed: {  	v2 =	vbroadcast v2, $0x0;
	v1 =	vld.idx.msk [tilespmem:v1+s3+$0x0], $0xffff;
	_ =	sdelay $0x4  }
0xee: {  	[tilespmem:s20+$0x480] =	vst v1  }
0xef: {  	v1 =	vld.idx.msk [tilespmem:v2+s10+$0x0], $0xffff;
	_ =	sdelay $0x4  }
0xf0: {  	v1 =	vshll.u32 v1, $0x7  }
0xf1: {  	v1 =	vor.u32 v0, v1;
	_ =	sdelay $0x1  }
0xf2: {  	s28 =	sadd.s32 $0xFFFFFFFC, s19  }
0xf3: {  	v2 =	vmov s28  }
0xf4: {  	v2 =	vand.u32 $0xFFFFFFFB, v2  }
0xf5: {  	v2 =	vbroadcast v2, $0x0;
	v1 =	vld.idx.msk [tilespmem:v1+s3+$0x0], $0xffff;
	_ =	sdelay $0x4  }
0xf6: {  	[tilespmem:s20+$0x500] =	vst v1  }
0xf7: {  	v1 =	vld.idx.msk [tilespmem:v2+s10+$0x0], $0xffff;
	_ =	sdelay $0x4  }
0xf8: {  	v1 =	vshll.u32 v1, $0x7  }
0xf9: {  	v1 =	vor.u32 v0, v1;
	_ =	sdelay $0x1  }
0xfa: {  	s29 =	sadd.s32 $0xFFFFFFFD, s19  }
0xfb: {  	v2 =	vmov s29  }
0xfc: {  	v2 =	vand.u32 $0xFFFFFFFC, v2  }
0xfd: {  	v2 =	vbroadcast v2, $0x0;
	v1 =	vld.idx.msk [tilespmem:v1+s3+$0x0], $0xffff;
	_ =	sdelay $0x4  }
0xfe: {  	[tilespmem:s20+$0x580] =	vst v1  }
0xff: {  	v1 =	vld.idx.msk [tilespmem:v2+s10+$0x0], $0xffff;
	_ =	sdelay $0x4  }
0x100: {  	v1 =	vshll.u32 v1, $0x7  }
0x101: {  	v1 =	vor.u32 v0, v1;
	_ =	sdelay $0x1  }
0x102: {  	s30 =	sadd.s32 $0xFFFFFFFE, s19  }
0x103: {  	v2 =	vmov s30  }
0x104: {  	v2 =	vand.u32 $0xFFFFFFFD, v2  }
0x105: {  	v2 =	vbroadcast v2, $0x0;
	v1 =	vld.idx.msk [tilespmem:v1+s3+$0x0], $0xffff;
	_ =	sdelay $0x4  }
0x106: {  	[tilespmem:s20+$0x600] =	vst v1  }
0x107: {  	v1 =	vld.idx.msk [tilespmem:v2+s10+$0x0], $0xffff;
	_ =	sdelay $0x4  }
0x108: {  	v1 =	vshll.u32 v1, $0x7  }
0x109: {  	v1 =	vor.u32 v0, v1;
	_ =	sdelay $0x1  }
0x10a: {  	s31 =	sadd.s32 $0xFFFFFFFF, s19  }
0x10b: {  	v2 =	vmov s31  }
0x10c: {  	v2 =	vand.u32 $0xFFFFFFFE, v2  }
0x10d: {  	v2 =	vbroadcast v2, $0x0;
	v1 =	vld.idx.msk [tilespmem:v1+s3+$0x0], $0xffff;
	_ =	sdelay $0x4  }
0x10e: {  	[tilespmem:s20+$0x680] =	vst v1  }
0x10f: {  	v1 =	vld.idx.msk [tilespmem:v2+s10+$0x0], $0xffff;
	_ =	sdelay $0x4  }
0x110: {  	v1 =	vshll.u32 v1, $0x7  }
0x111: {  	v1 =	vor.u32 v0, v1;
	_ =	sdelay $0x4  }
0x112: {  	v1 =	vld.idx.msk [tilespmem:v1+s3+$0x0], $0xffff  }
0x113: {  	v2 =	vmov s19;
	_ =	sdelay $0x3  }
0x114: {  	[tilespmem:s20+$0x700] =	vst v1  }
0x115: {  	v1 =	vld.idx.msk [tilespmem:v2+s10+$0x0], $0xffff;
	_ =	sdelay $0x4  }
0x116: {  	v1 =	vshll.u32 v1, $0x7  }
0x117: {  	v1 =	vor.u32 v0, v1;
	_ =	sdelay $0x4  }
0x118: {  	p0 =	sne.s32 s19, $0xFF;
	v1 =	vld.idx.msk [tilespmem:v1+s3+$0x0], $0xffff  }
.Ltmp1:
0x119: {  	_ = 	snop;
	(pc) =	sbr.rel @p0 .LBB2_4-.Ltmp1, $2  }
0x11a: {  	_ =	sdelay $0x2  }
0x11b: {  	s19 =	sadd.s32 $0x10, s19;
	[tilespmem:s20+$0x780] =	vst v1;
	s20 =	sadd.s32 $0x800, s20  }
0x11c: {  	[hbm4b:s6+s3] =	stream.linear.scatter [tilespmem:s14], [sflag:$0x3], $0x4000, $0x38;
	[tilespmem:$0x13600] =	vst v63  }
0x11d: {  	s19 =	simm.s32 $0x10F;
	s20 =	simm.s32 $0xB600  }
.LBB2_6:
0x11e: {  	s21 =	sadd.s32 $0xFFFFFFF1, s19  }
0x11f: {  	v1 =	vmov s21  }
0x120: {  	v1 =	vand.u32 $0xFFFFFFF0, v1  }
0x121: {  	v1 =	vbroadcast v1, $0x0;
	_ =	sdelay $0x5  }
0x122: {  	v1 =	vld.idx.msk [tilespmem:v1+s10+$0x0], $0xffff;
	_ =	sdelay $0x4  }
0x123: {  	v1 =	vshll.u32 v1, $0x7  }
0x124: {  	v1 =	vor.u32 v0, v1;
	_ =	sdelay $0x1  }
0x125: {  	s26 =	sadd.s32 $0xFFFFFFF2, s19  }
0x126: {  	v2 =	vmov s26  }
0x127: {  	v2 =	vand.u32 $0xFFFFFFF1, v2  }
0x128: {  	v2 =	vbroadcast v2, $0x0;
	v1 =	vld.idx.msk [tilespmem:v1+s3+$0x0], $0xffff;
	_ =	sdelay $0x4  }
0x129: {  	[tilespmem:s20+$0x0] =	vst v1  }
0x12a: {  	v1 =	vld.idx.msk [tilespmem:v2+s10+$0x0], $0xffff;
	_ =	sdelay $0x4  }
0x12b: {  	v1 =	vshll.u32 v1, $0x7  }
0x12c: {  	v1 =	vor.u32 v0, v1;
	_ =	sdelay $0x1  }
0x12d: {  	s28 =	sadd.s32 $0xFFFFFFF3, s19  }
0x12e: {  	v2 =	vmov s28  }
0x12f: {  	v2 =	vand.u32 $0xFFFFFFF2, v2  }
0x130: {  	v2 =	vbroadcast v2, $0x0;
	v1 =	vld.idx.msk [tilespmem:v1+s3+$0x0], $0xffff;
	_ =	sdelay $0x4  }
0x131: {  	[tilespmem:s20+$0x80] =	vst v1  }
0x132: {  	v1 =	vld.idx.msk [tilespmem:v2+s10+$0x0], $0xffff;
	_ =	sdelay $0x4  }
0x133: {  	v1 =	vshll.u32 v1, $0x7  }
0x134: {  	v1 =	vor.u32 v0, v1;
	_ =	sdelay $0x1  }
0x135: {  	s29 =	sadd.s32 $0xFFFFFFF4, s19  }
0x136: {  	v2 =	vmov s29  }
0x137: {  	v2 =	vand.u32 $0xFFFFFFF3, v2  }
0x138: {  	v2 =	vbroadcast v2, $0x0;
	v1 =	vld.idx.msk [tilespmem:v1+s3+$0x0], $0xffff;
	_ =	sdelay $0x4  }
0x139: {  	[tilespmem:s20+$0x100] =	vst v1  }
0x13a: {  	v1 =	vld.idx.msk [tilespmem:v2+s10+$0x0], $0xffff;
	_ =	sdelay $0x4  }
0x13b: {  	v1 =	vshll.u32 v1, $0x7  }
0x13c: {  	v1 =	vor.u32 v0, v1;
	_ =	sdelay $0x1  }
0x13d: {  	s30 =	sadd.s32 $0xFFFFFFF5, s19  }
0x13e: {  	v2 =	vmov s30  }
0x13f: {  	v2 =	vand.u32 $0xFFFFFFF4, v2  }
0x140: {  	v2 =	vbroadcast v2, $0x0;
	v1 =	vld.idx.msk [tilespmem:v1+s3+$0x0], $0xffff;
	_ =	sdelay $0x4  }
0x141: {  	[tilespmem:s20+$0x180] =	vst v1  }
0x142: {  	v1 =	vld.idx.msk [tilespmem:v2+s10+$0x0], $0xffff;
	_ =	sdelay $0x4  }
0x143: {  	v1 =	vshll.u32 v1, $0x7  }
0x144: {  	v1 =	vor.u32 v0, v1;
	_ =	sdelay $0x1  }
0x145: {  	s31 =	sadd.s32 $0xFFFFFFF6, s19  }
0x146: {  	v2 =	vmov s31  }
0x147: {  	v2 =	vand.u32 $0xFFFFFFF5, v2  }
0x148: {  	v2 =	vbroadcast v2, $0x0;
	v1 =	vld.idx.msk [tilespmem:v1+s3+$0x0], $0xffff;
	_ =	sdelay $0x4  }
0x149: {  	[tilespmem:s20+$0x200] =	vst v1  }
0x14a: {  	v1 =	vld.idx.msk [tilespmem:v2+s10+$0x0], $0xffff;
	_ =	sdelay $0x4  }
0x14b: {  	v1 =	vshll.u32 v1, $0x7  }
0x14c: {  	v1 =	vor.u32 v0, v1;
	_ =	sdelay $0x1  }
0x14d: {  	s22 =	sadd.s32 $0xFFFFFFF7, s19  }
0x14e: {  	v2 =	vmov s22  }
0x14f: {  	v2 =	vand.u32 $0xFFFFFFF6, v2  }
0x150: {  	v2 =	vbroadcast v2, $0x0;
	v1 =	vld.idx.msk [tilespmem:v1+s3+$0x0], $0xffff;
	_ =	sdelay $0x4  }
0x151: {  	[tilespmem:s20+$0x280] =	vst v1  }
0x152: {  	v1 =	vld.idx.msk [tilespmem:v2+s10+$0x0], $0xffff;
	_ =	sdelay $0x4  }
0x153: {  	v1 =	vshll.u32 v1, $0x7  }
0x154: {  	v1 =	vor.u32 v0, v1;
	_ =	sdelay $0x1  }
0x155: {  	s23 =	sadd.s32 $0xFFFFFFF8, s19  }
0x156: {  	v2 =	vmov s23  }
0x157: {  	v2 =	vand.u32 $0xFFFFFFF7, v2  }
0x158: {  	v2 =	vbroadcast v2, $0x0;
	v1 =	vld.idx.msk [tilespmem:v1+s3+$0x0], $0xffff;
	_ =	sdelay $0x4  }
0x159: {  	[tilespmem:s20+$0x300] =	vst v1  }
0x15a: {  	v1 =	vld.idx.msk [tilespmem:v2+s10+$0x0], $0xffff;
	_ =	sdelay $0x4  }
0x15b: {  	v1 =	vshll.u32 v1, $0x7  }
0x15c: {  	v1 =	vor.u32 v0, v1;
	_ =	sdelay $0x1  }
0x15d: {  	s24 =	sadd.s32 $0xFFFFFFF9, s19  }
0x15e: {  	v2 =	vmov s24  }
0x15f: {  	v2 =	vand.u32 $0xFFFFFFF8, v2  }
0x160: {  	v2 =	vbroadcast v2, $0x0;
	v1 =	vld.idx.msk [tilespmem:v1+s3+$0x0], $0xffff;
	_ =	sdelay $0x4  }
0x161: {  	[tilespmem:s20+$0x380] =	vst v1  }
0x162: {  	v1 =	vld.idx.msk [tilespmem:v2+s10+$0x0], $0xffff;
	_ =	sdelay $0x4  }
0x163: {  	v1 =	vshll.u32 v1, $0x7  }
0x164: {  	v1 =	vor.u32 v0, v1;
	_ =	sdelay $0x1  }
0x165: {  	s25 =	sadd.s32 $0xFFFFFFFA, s19  }
0x166: {  	v2 =	vmov s25  }
0x167: {  	v2 =	vand.u32 $0xFFFFFFF9, v2  }
0x168: {  	v2 =	vbroadcast v2, $0x0;
	v1 =	vld.idx.msk [tilespmem:v1+s3+$0x0], $0xffff;
	_ =	sdelay $0x4  }
0x169: {  	[tilespmem:s20+$0x400] =	vst v1  }
0x16a: {  	v1 =	vld.idx.msk [tilespmem:v2+s10+$0x0], $0xffff;
	_ =	sdelay $0x4  }
0x16b: {  	v1 =	vshll.u32 v1, $0x7  }
0x16c: {  	v1 =	vor.u32 v0, v1;
	_ =	sdelay $0x1  }
0x16d: {  	s26 =	sadd.s32 $0xFFFFFFFB, s19  }
0x16e: {  	v2 =	vmov s26  }
0x16f: {  	v2 =	vand.u32 $0xFFFFFFFA, v2  }
0x170: {  	v2 =	vbroadcast v2, $0x0;
	v1 =	vld.idx.msk [tilespmem:v1+s3+$0x0], $0xffff;
	_ =	sdelay $0x4  }
0x171: {  	[tilespmem:s20+$0x480] =	vst v1  }
0x172: {  	v1 =	vld.idx.msk [tilespmem:v2+s10+$0x0], $0xffff;
	_ =	sdelay $0x4  }
0x173: {  	v1 =	vshll.u32 v1, $0x7  }
0x174: {  	v1 =	vor.u32 v0, v1;
	_ =	sdelay $0x1  }
0x175: {  	s28 =	sadd.s32 $0xFFFFFFFC, s19  }
0x176: {  	v2 =	vmov s28  }
0x177: {  	v2 =	vand.u32 $0xFFFFFFFB, v2  }
0x178: {  	v2 =	vbroadcast v2, $0x0;
	v1 =	vld.idx.msk [tilespmem:v1+s3+$0x0], $0xffff;
	_ =	sdelay $0x4  }
0x179: {  	[tilespmem:s20+$0x500] =	vst v1  }
0x17a: {  	v1 =	vld.idx.msk [tilespmem:v2+s10+$0x0], $0xffff;
	_ =	sdelay $0x4  }
0x17b: {  	v1 =	vshll.u32 v1, $0x7  }
0x17c: {  	v1 =	vor.u32 v0, v1;
	_ =	sdelay $0x1  }
0x17d: {  	s29 =	sadd.s32 $0xFFFFFFFD, s19  }
0x17e: {  	v2 =	vmov s29  }
0x17f: {  	v2 =	vand.u32 $0xFFFFFFFC, v2  }
0x180: {  	v2 =	vbroadcast v2, $0x0;
	v1 =	vld.idx.msk [tilespmem:v1+s3+$0x0], $0xffff;
	_ =	sdelay $0x4  }
0x181: {  	[tilespmem:s20+$0x580] =	vst v1  }
0x182: {  	v1 =	vld.idx.msk [tilespmem:v2+s10+$0x0], $0xffff;
	_ =	sdelay $0x4  }
0x183: {  	v1 =	vshll.u32 v1, $0x7  }
0x184: {  	v1 =	vor.u32 v0, v1;
	_ =	sdelay $0x1  }
0x185: {  	s30 =	sadd.s32 $0xFFFFFFFE, s19  }
0x186: {  	v2 =	vmov s30  }
0x187: {  	v2 =	vand.u32 $0xFFFFFFFD, v2  }
0x188: {  	v2 =	vbroadcast v2, $0x0;
	v1 =	vld.idx.msk [tilespmem:v1+s3+$0x0], $0xffff;
	_ =	sdelay $0x4  }
0x189: {  	[tilespmem:s20+$0x600] =	vst v1  }
0x18a: {  	v1 =	vld.idx.msk [tilespmem:v2+s10+$0x0], $0xffff;
	_ =	sdelay $0x4  }
0x18b: {  	v1 =	vshll.u32 v1, $0x7  }
0x18c: {  	v1 =	vor.u32 v0, v1;
	_ =	sdelay $0x1  }
0x18d: {  	s31 =	sadd.s32 $0xFFFFFFFF, s19  }
0x18e: {  	v2 =	vmov s31  }
0x18f: {  	v2 =	vand.u32 $0xFFFFFFFE, v2  }
0x190: {  	v2 =	vbroadcast v2, $0x0;
	v1 =	vld.idx.msk [tilespmem:v1+s3+$0x0], $0xffff;
	_ =	sdelay $0x4  }
0x191: {  	[tilespmem:s20+$0x680] =	vst v1  }
0x192: {  	v1 =	vld.idx.msk [tilespmem:v2+s10+$0x0], $0xffff;
	_ =	sdelay $0x4  }
0x193: {  	v1 =	vshll.u32 v1, $0x7  }
0x194: {  	v1 =	vor.u32 v0, v1;
	_ =	sdelay $0x4  }
0x195: {  	v1 =	vld.idx.msk [tilespmem:v1+s3+$0x0], $0xffff  }
0x196: {  	v2 =	vmov s19;
	_ =	sdelay $0x3  }
0x197: {  	[tilespmem:s20+$0x700] =	vst v1  }
0x198: {  	v1 =	vld.idx.msk [tilespmem:v2+s10+$0x0], $0xffff;
	_ =	sdelay $0x4  }
0x199: {  	v1 =	vshll.u32 v1, $0x7  }
0x19a: {  	v1 =	vor.u32 v0, v1;
	_ =	sdelay $0x4  }
0x19b: {  	p0 =	sne.s32 s19, $0x17F;
	v1 =	vld.idx.msk [tilespmem:v1+s3+$0x0], $0xffff  }
.Ltmp2:
0x19c: {  	_ = 	snop;
	(pc) =	sbr.rel @p0 .LBB2_6-.Ltmp2, $2  }
0x19d: {  	_ =	sdelay $0x2  }
0x19e: {  	s19 =	sadd.s32 $0x10, s19;
	[tilespmem:s20+$0x780] =	vst v1;
	s20 =	sadd.s32 $0x800, s20  }
0x19f: {  	[hbm4b:s7+s3] =	stream.linear.scatter [tilespmem:s15], [sflag:$0x3], $0x4000, $0x38;
	[tilespmem:$0x13600] =	vst v63  }
0x1a0: {  	s19 =	simm.s32 $0x18F;
	s20 =	simm.s32 $0xF600  }
.LBB2_8:
0x1a1: {  	s21 =	sadd.s32 $0xFFFFFFF1, s19  }
0x1a2: {  	v1 =	vmov s21  }
0x1a3: {  	v1 =	vand.u32 $0xFFFFFFF0, v1  }
0x1a4: {  	v1 =	vbroadcast v1, $0x0;
	_ =	sdelay $0x5  }
0x1a5: {  	v1 =	vld.idx.msk [tilespmem:v1+s10+$0x0], $0xffff;
	_ =	sdelay $0x4  }
0x1a6: {  	v1 =	vshll.u32 v1, $0x7  }
0x1a7: {  	v1 =	vor.u32 v0, v1;
	_ =	sdelay $0x1  }
0x1a8: {  	s26 =	sadd.s32 $0xFFFFFFF2, s19  }
0x1a9: {  	v2 =	vmov s26  }
0x1aa: {  	v2 =	vand.u32 $0xFFFFFFF1, v2  }
0x1ab: {  	v2 =	vbroadcast v2, $0x0;
	v1 =	vld.idx.msk [tilespmem:v1+s3+$0x0], $0xffff;
	_ =	sdelay $0x4  }
0x1ac: {  	[tilespmem:s20+$0x0] =	vst v1  }
0x1ad: {  	v1 =	vld.idx.msk [tilespmem:v2+s10+$0x0], $0xffff;
	_ =	sdelay $0x4  }
0x1ae: {  	v1 =	vshll.u32 v1, $0x7  }
0x1af: {  	v1 =	vor.u32 v0, v1;
	_ =	sdelay $0x1  }
0x1b0: {  	s28 =	sadd.s32 $0xFFFFFFF3, s19  }
0x1b1: {  	v2 =	vmov s28  }
0x1b2: {  	v2 =	vand.u32 $0xFFFFFFF2, v2  }
0x1b3: {  	v2 =	vbroadcast v2, $0x0;
	v1 =	vld.idx.msk [tilespmem:v1+s3+$0x0], $0xffff;
	_ =	sdelay $0x4  }
0x1b4: {  	[tilespmem:s20+$0x80] =	vst v1  }
0x1b5: {  	v1 =	vld.idx.msk [tilespmem:v2+s10+$0x0], $0xffff;
	_ =	sdelay $0x4  }
0x1b6: {  	v1 =	vshll.u32 v1, $0x7  }
0x1b7: {  	v1 =	vor.u32 v0, v1;
	_ =	sdelay $0x1  }
0x1b8: {  	s29 =	sadd.s32 $0xFFFFFFF4, s19  }
0x1b9: {  	v2 =	vmov s29  }
0x1ba: {  	v2 =	vand.u32 $0xFFFFFFF3, v2  }
0x1bb: {  	v2 =	vbroadcast v2, $0x0;
	v1 =	vld.idx.msk [tilespmem:v1+s3+$0x0], $0xffff;
	_ =	sdelay $0x4  }
0x1bc: {  	[tilespmem:s20+$0x100] =	vst v1  }
0x1bd: {  	v1 =	vld.idx.msk [tilespmem:v2+s10+$0x0], $0xffff;
	_ =	sdelay $0x4  }
0x1be: {  	v1 =	vshll.u32 v1, $0x7  }
0x1bf: {  	v1 =	vor.u32 v0, v1;
	_ =	sdelay $0x1  }
0x1c0: {  	s30 =	sadd.s32 $0xFFFFFFF5, s19  }
0x1c1: {  	v2 =	vmov s30  }
0x1c2: {  	v2 =	vand.u32 $0xFFFFFFF4, v2  }
0x1c3: {  	v2 =	vbroadcast v2, $0x0;
	v1 =	vld.idx.msk [tilespmem:v1+s3+$0x0], $0xffff;
	_ =	sdelay $0x4  }
0x1c4: {  	[tilespmem:s20+$0x180] =	vst v1  }
0x1c5: {  	v1 =	vld.idx.msk [tilespmem:v2+s10+$0x0], $0xffff;
	_ =	sdelay $0x4  }
0x1c6: {  	v1 =	vshll.u32 v1, $0x7  }
0x1c7: {  	v1 =	vor.u32 v0, v1;
	_ =	sdelay $0x1  }
0x1c8: {  	s31 =	sadd.s32 $0xFFFFFFF6, s19  }
0x1c9: {  	v2 =	vmov s31  }
0x1ca: {  	v2 =	vand.u32 $0xFFFFFFF5, v2  }
0x1cb: {  	v2 =	vbroadcast v2, $0x0;
	v1 =	vld.idx.msk [tilespmem:v1+s3+$0x0], $0xffff;
	_ =	sdelay $0x4  }
0x1cc: {  	[tilespmem:s20+$0x200] =	vst v1  }
0x1cd: {  	v1 =	vld.idx.msk [tilespmem:v2+s10+$0x0], $0xffff;
	_ =	sdelay $0x4  }
0x1ce: {  	v1 =	vshll.u32 v1, $0x7  }
0x1cf: {  	v1 =	vor.u32 v0, v1;
	_ =	sdelay $0x1  }
0x1d0: {  	s22 =	sadd.s32 $0xFFFFFFF7, s19  }
0x1d1: {  	v2 =	vmov s22  }
0x1d2: {  	v2 =	vand.u32 $0xFFFFFFF6, v2  }
0x1d3: {  	v2 =	vbroadcast v2, $0x0;
	v1 =	vld.idx.msk [tilespmem:v1+s3+$0x0], $0xffff;
	_ =	sdelay $0x4  }
0x1d4: {  	[tilespmem:s20+$0x280] =	vst v1  }
0x1d5: {  	v1 =	vld.idx.msk [tilespmem:v2+s10+$0x0], $0xffff;
	_ =	sdelay $0x4  }
0x1d6: {  	v1 =	vshll.u32 v1, $0x7  }
0x1d7: {  	v1 =	vor.u32 v0, v1;
	_ =	sdelay $0x1  }
0x1d8: {  	s23 =	sadd.s32 $0xFFFFFFF8, s19  }
0x1d9: {  	v2 =	vmov s23  }
0x1da: {  	v2 =	vand.u32 $0xFFFFFFF7, v2  }
0x1db: {  	v2 =	vbroadcast v2, $0x0;
	v1 =	vld.idx.msk [tilespmem:v1+s3+$0x0], $0xffff;
	_ =	sdelay $0x4  }
0x1dc: {  	[tilespmem:s20+$0x300] =	vst v1  }
0x1dd: {  	v1 =	vld.idx.msk [tilespmem:v2+s10+$0x0], $0xffff;
	_ =	sdelay $0x4  }
0x1de: {  	v1 =	vshll.u32 v1, $0x7  }
0x1df: {  	v1 =	vor.u32 v0, v1;
	_ =	sdelay $0x1  }
0x1e0: {  	s24 =	sadd.s32 $0xFFFFFFF9, s19  }
0x1e1: {  	v2 =	vmov s24  }
0x1e2: {  	v2 =	vand.u32 $0xFFFFFFF8, v2  }
0x1e3: {  	v2 =	vbroadcast v2, $0x0;
	v1 =	vld.idx.msk [tilespmem:v1+s3+$0x0], $0xffff;
	_ =	sdelay $0x4  }
0x1e4: {  	[tilespmem:s20+$0x380] =	vst v1  }
0x1e5: {  	v1 =	vld.idx.msk [tilespmem:v2+s10+$0x0], $0xffff;
	_ =	sdelay $0x4  }
0x1e6: {  	v1 =	vshll.u32 v1, $0x7  }
0x1e7: {  	v1 =	vor.u32 v0, v1;
	_ =	sdelay $0x1  }
0x1e8: {  	s25 =	sadd.s32 $0xFFFFFFFA, s19  }
0x1e9: {  	v2 =	vmov s25  }
0x1ea: {  	v2 =	vand.u32 $0xFFFFFFF9, v2  }
0x1eb: {  	v2 =	vbroadcast v2, $0x0;
	v1 =	vld.idx.msk [tilespmem:v1+s3+$0x0], $0xffff;
	_ =	sdelay $0x4  }
0x1ec: {  	[tilespmem:s20+$0x400] =	vst v1  }
0x1ed: {  	v1 =	vld.idx.msk [tilespmem:v2+s10+$0x0], $0xffff;
	_ =	sdelay $0x4  }
0x1ee: {  	v1 =	vshll.u32 v1, $0x7  }
0x1ef: {  	v1 =	vor.u32 v0, v1;
	_ =	sdelay $0x1  }
0x1f0: {  	s26 =	sadd.s32 $0xFFFFFFFB, s19  }
0x1f1: {  	v2 =	vmov s26  }
0x1f2: {  	v2 =	vand.u32 $0xFFFFFFFA, v2  }
0x1f3: {  	v2 =	vbroadcast v2, $0x0;
	v1 =	vld.idx.msk [tilespmem:v1+s3+$0x0], $0xffff;
	_ =	sdelay $0x4  }
0x1f4: {  	[tilespmem:s20+$0x480] =	vst v1  }
0x1f5: {  	v1 =	vld.idx.msk [tilespmem:v2+s10+$0x0], $0xffff;
	_ =	sdelay $0x4  }
0x1f6: {  	v1 =	vshll.u32 v1, $0x7  }
0x1f7: {  	v1 =	vor.u32 v0, v1;
	_ =	sdelay $0x1  }
0x1f8: {  	s28 =	sadd.s32 $0xFFFFFFFC, s19  }
0x1f9: {  	v2 =	vmov s28  }
0x1fa: {  	v2 =	vand.u32 $0xFFFFFFFB, v2  }
0x1fb: {  	v2 =	vbroadcast v2, $0x0;
	v1 =	vld.idx.msk [tilespmem:v1+s3+$0x0], $0xffff;
	_ =	sdelay $0x4  }
0x1fc: {  	[tilespmem:s20+$0x500] =	vst v1  }
0x1fd: {  	v1 =	vld.idx.msk [tilespmem:v2+s10+$0x0], $0xffff;
	_ =	sdelay $0x4  }
0x1fe: {  	v1 =	vshll.u32 v1, $0x7  }
0x1ff: {  	v1 =	vor.u32 v0, v1;
	_ =	sdelay $0x1  }
0x200: {  	s29 =	sadd.s32 $0xFFFFFFFD, s19  }
0x201: {  	v2 =	vmov s29  }
0x202: {  	v2 =	vand.u32 $0xFFFFFFFC, v2  }
0x203: {  	v2 =	vbroadcast v2, $0x0;
	v1 =	vld.idx.msk [tilespmem:v1+s3+$0x0], $0xffff;
	_ =	sdelay $0x4  }
0x204: {  	[tilespmem:s20+$0x580] =	vst v1  }
0x205: {  	v1 =	vld.idx.msk [tilespmem:v2+s10+$0x0], $0xffff;
	_ =	sdelay $0x4  }
0x206: {  	v1 =	vshll.u32 v1, $0x7  }
0x207: {  	v1 =	vor.u32 v0, v1;
	_ =	sdelay $0x1  }
0x208: {  	s30 =	sadd.s32 $0xFFFFFFFE, s19  }
0x209: {  	v2 =	vmov s30  }
0x20a: {  	v2 =	vand.u32 $0xFFFFFFFD, v2  }
0x20b: {  	v2 =	vbroadcast v2, $0x0;
	v1 =	vld.idx.msk [tilespmem:v1+s3+$0x0], $0xffff;
	_ =	sdelay $0x4  }
0x20c: {  	[tilespmem:s20+$0x600] =	vst v1  }
0x20d: {  	v1 =	vld.idx.msk [tilespmem:v2+s10+$0x0], $0xffff;
	_ =	sdelay $0x4  }
0x20e: {  	v1 =	vshll.u32 v1, $0x7  }
0x20f: {  	v1 =	vor.u32 v0, v1;
	_ =	sdelay $0x1  }
0x210: {  	s31 =	sadd.s32 $0xFFFFFFFF, s19  }
0x211: {  	v2 =	vmov s31  }
0x212: {  	v2 =	vand.u32 $0xFFFFFFFE, v2  }
0x213: {  	v2 =	vbroadcast v2, $0x0;
	v1 =	vld.idx.msk [tilespmem:v1+s3+$0x0], $0xffff;
	_ =	sdelay $0x4  }
0x214: {  	[tilespmem:s20+$0x680] =	vst v1  }
0x215: {  	v1 =	vld.idx.msk [tilespmem:v2+s10+$0x0], $0xffff;
	_ =	sdelay $0x4  }
0x216: {  	v1 =	vshll.u32 v1, $0x7  }
0x217: {  	v1 =	vor.u32 v0, v1;
	_ =	sdelay $0x4  }
0x218: {  	v1 =	vld.idx.msk [tilespmem:v1+s3+$0x0], $0xffff  }
0x219: {  	v2 =	vmov s19;
	_ =	sdelay $0x3  }
0x21a: {  	[tilespmem:s20+$0x700] =	vst v1  }
0x21b: {  	v1 =	vld.idx.msk [tilespmem:v2+s10+$0x0], $0xffff;
	_ =	sdelay $0x4  }
0x21c: {  	v1 =	vshll.u32 v1, $0x7  }
0x21d: {  	v1 =	vor.u32 v0, v1;
	_ =	sdelay $0x4  }
0x21e: {  	p0 =	sne.s32 s19, $0x1FF;
	v1 =	vld.idx.msk [tilespmem:v1+s3+$0x0], $0xffff  }
.Ltmp3:
0x21f: {  	_ = 	snop;
	(pc) =	sbr.rel @p0 .LBB2_8-.Ltmp3, $2  }
0x220: {  	_ =	sdelay $0x2  }
0x221: {  	s19 =	sadd.s32 $0x10, s19;
	[tilespmem:s20+$0x780] =	vst v1;
	s20 =	sadd.s32 $0x800, s20  }
0x222: {  	[hbm4b:s8+s3] =	stream.linear.scatter [tilespmem:s16], [sflag:$0x3], $0x4000, $0x38;
	[tilespmem:$0x13600] =	vst v63  }
0x223: {  	_ =	swait.ge [sflag:s17], $0x4000  }
0x224: {  	[sflag:s17] =	ssyncset.done $0x0  }
0x225: {  	[sflag:s17] =	ssyncadd.s32 $0xFFFFC000  }
0x226: {  	_ =	swait.ge [sflag:s17], $0x4000  }
0x227: {  	[sflag:s17] =	ssyncset.done $0x0  }
0x228: {  	s18 =	sadd.s32 $0x1, s18;
	[sflag:s17] =	ssyncadd.s32 $0xFFFFC000  }
0x229: {  	p0 =	sne.s32 s18, s9;
	_ =	swait.ge [sflag:s17], $0x4000  }
.Ltmp4:
0x22a: {  	[sflag:s17] =	ssyncset.done $0x0;
	(pc) =	sbr.rel @p0 .LBB2_1-.Ltmp4, $4  }
0x22b: {  	[sflag:s17] =	ssyncadd.s32 $0xFFFFC000  }
0x22c: {  	_ =	swait.ge [sflag:s17], $0x4000  }
0x22d: {  	[sflag:s17] =	ssyncset.done $0x0  }
0x22e: {  	[sflag:s17] =	ssyncadd.s32 $0xFFFFC000  }
0x22f: {  	_ =	sfence.sel $0x180000  }
0x230: {  	[bflag:$0x0] =	sbarrier.arrive $0xFFFF  }
0x231: {  	p0 =	sne.s32 s2, $0x0;
	_ =	strace $0x90000047  }
0x232: {  	s0 =	sadd.s32 @!p0 $0x100000, s0;
	[bflag:$0x2] =	sbarrier.arrive $0xFFFF  }
0x233: {  	[sflag:s0] =	ssyncadd.tile.s32 @!p0 $0x1;
	_ =	shalt  }
.Lfunc_end2:
_tile_overlayer_lowered:
.L_overlay_start_2:
0x234: {  	(tag) =	ssettag $0x2  }
0x235: {  	s0 =	rddreg [dreg:$0x0];
	s2 =	stileid.u32  }
0x236: {  	s1 =	rddreg [dreg:$0x1];
	p0 =	sne.s32 s2, $0x0  }
0x237: {  	s3 =	rddreg [dreg:$0x2];
	[bflag:$0x3] =	sbarrier.arrive $0xFFFF;
	s2 =	simm.s32 @!p0 $0x1C04  }
0x238: {  	[timem:s3], [sflag:s2] =	dma.local @!p0 [hbm:s0], s1  }
0x239: {  	s0 =	simm.s32 @!p0 $0x4  }
0x23a: {  	_ =	swait.ge @!p0 [sflag:s0], s1  }
0x23b: {  	s1 =	ssub.s32 @!p0 $0x0, s1;
	[sflag:s0] =	ssyncset.done @!p0 $0x0  }
0x23c: {  	[sflag:s0] =	ssyncadd.s32 @!p0 s1  }
0x23d: {  	[bflag:$0x3] =	sbarrier.arrive $0xFFFF  }
0x23e: {  	_ =	shalt  }

</sc_bundles>
